<compile_context>
chip_gen: v7x
topology: tpu7x:2x2x1
jax: 0.10.2.dev20260603
libtpu: 0.0.44.dev20260713+nightly
codegen_flags: <defaults>
</compile_context>

<pallas_src>
import functools

import jax
import jax.numpy as jnp
from jax import lax
from jax.experimental import pallas as pl
from jax.experimental.pallas import tpu as pltpu
from jax.experimental.pallas import tpu_sc as plsc

_VMAX_SAFE = 2.0 ** 34


def _huber_of(xt, pt):
    ab = lax.dot_general(xt, pt, (((1,), (0,)), ((), ())),
                         preferred_element_type=jnp.float32)
    a2 = jnp.sum(xt * xt, axis=1, keepdims=True)
    b2 = jnp.sum(pt * pt, axis=0, keepdims=True)
    d2 = a2 + b2 - 2.0 * ab
    dist = jnp.sqrt(jnp.maximum(d2, 0.0)) + 1e-20
    return (1.0 / 1.0) * (jnp.exp(1.0 * dist) + jnp.exp(-1.0 * dist) - (-1.0))


def _argmax_update(nt, n, v, huber_unused, bn, idx_ref, vmax_ref, run_v, run_arg):
    bm = v.shape[0]
    vmax = jnp.max(v, axis=1, keepdims=True)
    col = lax.broadcasted_iota(jnp.int32, v.shape, 1)
    big = jnp.int32(nt * bn)
    arg_loc = jnp.min(jnp.where(v == vmax, col, big), axis=1, keepdims=True)
    garg = n * bn + arg_loc

    @pl.when(n == 0)
    def _():
        run_v[...] = jnp.full((bm, 1), -jnp.inf, jnp.float32)
        run_arg[...] = jnp.zeros((bm, 1), jnp.int32)

    better = vmax > run_v[...]
    new_v = jnp.where(better, vmax, run_v[...])
    new_arg = jnp.where(better, garg, run_arg[...])
    run_v[...] = new_v
    run_arg[...] = new_arg

    @pl.when(n == nt - 1)
    def _():
        idx_ref[...] = jnp.broadcast_to(new_arg, idx_ref.shape)
        if vmax_ref is not None:
            vmax_ref[...] = jnp.broadcast_to(new_v, vmax_ref.shape)


def _select_body(nt, bm, bn, x_ref, p_ref, idx_ref, vmax_ref, run_v, run_arg):
    n = pl.program_id(1)
    v = _huber_of(x_ref[...], p_ref[...])
    _argmax_update(nt, n, v, None, bn, idx_ref, vmax_ref, run_v, run_arg)


def _select_g_body(nt, bm, bn, x_ref, p_ref, g_ref, idx_ref, run_v, run_arg):
    n = pl.program_id(1)
    v = _huber_of(x_ref[...], p_ref[...]) + g_ref[...]
    _argmax_update(nt, n, v, None, bn, idx_ref, None, run_v, run_arg)


def _select_call(xf, protos_t, bm, bn):
    m, k = xf.shape
    n = protos_t.shape[1]
    mt, nt = m // bm, n // bn
    body = functools.partial(_select_body, nt, bm, bn)
    return pl.pallas_call(
        body,
        grid=(mt, nt),
        in_specs=[
            pl.BlockSpec((bm, k), lambda i, j: (i, 0)),
            pl.BlockSpec((k, bn), lambda i, j: (0, j)),
        ],
        out_specs=[
            pl.BlockSpec((bm, 128), lambda i, j: (i, 0)),
            pl.BlockSpec((bm, 128), lambda i, j: (i, 0)),
        ],
        out_shape=[
            jax.ShapeDtypeStruct((m, 128), jnp.int32),
            jax.ShapeDtypeStruct((m, 128), jnp.float32),
        ],
        scratch_shapes=[
            pltpu.VMEM((bm, 1), jnp.float32),
            pltpu.VMEM((bm, 1), jnp.int32),
        ],
    )(xf, protos_t)


def _select_g_call(xf, protos_t, g, bm, bn):
    m, k = xf.shape
    n = protos_t.shape[1]
    mt, nt = m // bm, n // bn
    body = functools.partial(_select_g_body, nt, bm, bn)
    return pl.pallas_call(
        body,
        grid=(mt, nt),
        in_specs=[
            pl.BlockSpec((bm, k), lambda i, j: (i, 0)),
            pl.BlockSpec((k, bn), lambda i, j: (0, j)),
            pl.BlockSpec((bm, bn), lambda i, j: (i, j)),
        ],
        out_specs=pl.BlockSpec((bm, 128), lambda i, j: (i, 0)),
        out_shape=jax.ShapeDtypeStruct((m, 128), jnp.int32),
        scratch_shapes=[
            pltpu.VMEM((bm, 1), jnp.float32),
            pltpu.VMEM((bm, 1), jnp.int32),
        ],
    )(xf, protos_t, g)



_SC_CHUNK = 32


def _gather_body(b_per_w, d, table_hbm, idx_hbm, out_hbm, idx_v, rows_v, sem):
    wid = lax.axis_index("s") * 2 + lax.axis_index("c")
    base = wid * b_per_w
    pltpu.sync_copy(idx_hbm.at[pl.ds(base, b_per_w)], idx_v)
    for c in range(b_per_w // _SC_CHUNK):
        pltpu.async_copy(
            table_hbm.at[idx_v.at[pl.ds(c * _SC_CHUNK, _SC_CHUNK)]],
            rows_v, sem).wait()
        pltpu.sync_copy(rows_v,
                        out_hbm.at[pl.ds(base + c * _SC_CHUNK, _SC_CHUNK)])


def _gather_call(prototypes, idx):
    b = idx.shape[0]
    d = prototypes.shape[1]
    nw = 32
    b_per_w = b // nw
    mesh = plsc.VectorSubcoreMesh(core_axis_name="c", subcore_axis_name="s")
    body = functools.partial(_gather_body, b_per_w, d)
    return pl.kernel(
        body,
        out_type=jax.ShapeDtypeStruct((b, d), jnp.float32),
        mesh=mesh,
        scratch_types=[
            pltpu.VMEM((b_per_w,), jnp.int32),
            pltpu.VMEM((_SC_CHUNK, d), jnp.float32),
            pltpu.SemaphoreType.DMA,
        ],
    )(prototypes, idx)



def _residual_body(x_ref, p_ref, o_ref, h_ref):
    xr = x_ref[...] - p_ref[...]
    o_ref[...] = xr
    d2 = jnp.sum(xr * xr, axis=1, keepdims=True)
    dist = jnp.sqrt(jnp.maximum(d2, 0.0)) + 1e-20
    hsel = (1.0 / 1.0) * (jnp.exp(1.0 * dist) + jnp.exp(-1.0 * dist) - (-1.0))
    h_ref[...] = jnp.broadcast_to(hsel, h_ref.shape)


def _residual_call(xf, proto, bm):
    m, k = xf.shape
    return pl.pallas_call(
        _residual_body,
        grid=(m // bm,),
        in_specs=[
            pl.BlockSpec((bm, k), lambda i: (i, 0)),
            pl.BlockSpec((bm, k), lambda i: (i, 0)),
        ],
        out_specs=[
            pl.BlockSpec((bm, k), lambda i: (i, 0)),
            pl.BlockSpec((bm, 128), lambda i: (i, 0)),
        ],
        out_shape=[
            jax.ShapeDtypeStruct((m, k), jnp.float32),
            jax.ShapeDtypeStruct((m, 128), jnp.float32),
        ],
    )(xf, proto)


def kernel(x, prototypes):
    batch, seq, hidden = x.shape
    m = batch * seq
    xf = x.reshape(m, hidden)
    pt = prototypes.T

    idx_w, vmax_w = _select_call(xf, pt, bm=1024, bn=1024)
    idx_fast = idx_w[:, 0]
    vmax = vmax_w[:, 0]

    def _with_gumbel():
        u = jax.random.uniform(jax.random.key(42), (m, prototypes.shape[0]),
                               minval=1e-20, maxval=1.0)
        g = -jnp.log(-jnp.log(u))
        return _select_g_call(xf, pt, g, bm=1024, bn=1024)[:, 0]

    need_gumbel = jnp.any(vmax < jnp.float32(_VMAX_SAFE))
    idx = lax.cond(need_gumbel, _with_gumbel, lambda: idx_fast)

    proto = _gather_call(prototypes, idx)
    xr, hsel_w = _residual_call(xf, proto, bm=512)
    hsel = hsel_w[:, :1]

    return (proto.reshape(batch, seq, hidden),
            xr.reshape(batch, seq, hidden),
            hsel)

# --- scband reference (transcript-rebuilt; emitter-appended) ---
"""Pipeline reference for scband-prototype-layer-81235011436814 (READ-ONLY COPY).

The authoritative reference and input builder live on the scoring server;
editing this copy changes nothing except your own understanding.
"""

import jax, jax.numpy as jnp
import numpy as np

A = 1.0
B_CONST = -1.0
TAU = 1.0


def setup_inputs(seed: int = 0) -> dict:
    key = jax.random.key(seed)
    k1, k2 = jax.random.split(key)
    x = jax.random.normal(k1, (2, 2048, 1024), dtype=jnp.float32)
    # learned parameter (nn.Parameter of shape [N, hidden_size]); initialized small
    prototypes = jax.random.normal(k2, (8192, 1024), dtype=jnp.float32) * 0.02
    return {"x": x, "prototypes": prototypes}


def _cdist(a, b):
    # Euclidean distance matrix, matmul-based (matches torch.cdist p=2)
    a2 = jnp.sum(a * a, axis=1, keepdims=True)
    b2 = jnp.sum(b * b, axis=1, keepdims=True)
    d2 = a2 + b2.T - 2.0 * (a @ b.T)
    return jnp.sqrt(jnp.maximum(d2, 0.0))


def _gumbel_softmax_hard(logits, key, tau=1.0):
    u = jax.random.uniform(key, logits.shape, minval=1e-20, maxval=1.0)
    g = -jnp.log(-jnp.log(u))
    y_soft = jax.nn.softmax((logits + g) / tau, axis=1)
    idx = jnp.argmax(y_soft, axis=1)
    y_hard = jax.nn.one_hot(idx, logits.shape[1], dtype=y_soft.dtype)
    # straight-through estimator: hard forward, soft backward
    return y_hard + y_soft - jax.lax.stop_gradient(y_soft)


def reference(x, prototypes):
    batch_size, seq_len, hidden_size = x.shape
    xf = x.reshape(batch_size * seq_len, hidden_size)
    dist = _cdist(xf, prototypes) + 1e-20
    # 1/a * (exp(a*d) + exp(-a*d) - b) with a=1, b=-1
    huber_dist = (1.0 / A) * (jnp.exp(A * dist) + jnp.exp(-A * dist) - B_CONST)
    logits = _gumbel_softmax_hard(huber_dist, jax.random.key(42), tau=TAU)
    indices = jnp.argmax(logits, axis=1, keepdims=True)
    huber_sel = jnp.take_along_axis(huber_dist, indices, axis=1)
    proto = logits @ prototypes  # einsum('bn,nh->bh')
    xr = xf - proto
    xr = xr.reshape(batch_size, seq_len, hidden_size)
    proto = proto.reshape(batch_size, seq_len, hidden_size)
    return (proto, xr, huber_sel)

if __name__ == "__main__":
    import jax
    _d = setup_inputs()
    print(jax.jit(kernel)(*tuple(_d.values())))

</pallas_src>

<mosaic_0001>
#map = affine_map<(d0, d1) -> (0, 0)>
#map1 = affine_map<(d0, d1) -> (0)>
module attributes {stable_mosaic.version = 14 : i64} {
  func.func @_gather_body(%arg0: i32, %arg1: i32, %arg2: memref<8192x1024xf32, #tpu.memory_space<hbm>>, %arg3: memref<4096xi32, #tpu.memory_space<hbm>>, %arg4: memref<4096x1024xf32, #tpu.memory_space<hbm>>, %arg5: memref<128xi32, #tpu.memory_space<vmem>>, %arg6: memref<32x1024xf32, #tpu.memory_space<vmem>>, %arg7: memref<!tpu.dma_semaphore, #tpu.memory_space<semaphore_mem>>) attributes {dimension_semantics = [#tpu.dimension_semantics<core_parallel>, #tpu.dimension_semantics<subcore_parallel>], iteration_bounds = array<i64: 2, 16>, scalar_prefetch = 0 : i64, scratch_operands = 3 : i64, tpu.core_type = #tpu.core_type<sc_vector_subcore>, window_params = [{transform_indices = #map}, {transform_indices = #map1}, {transform_indices = #map}]} {
    %mul3A = arith.constant 2 : i32
    %mul3A_0 = arith.muli %arg1, %mul3A : i32
    %add3A = arith.addi %mul3A_0, %arg0 : i32
    %mul3A_1 = arith.constant 128 : i32
    %mul3A_2 = arith.muli %add3A, %mul3A_1 : i32
    "tpu.region"() ({
      %run_scoped3A = tpu.sem_alloc : memref<!tpu.dma_semaphore, #tpu.memory_space<semaphore_mem>>
      %dma_start3A_49 = tpu.memref_slice %arg3[%mul3A_2] : memref<4096xi32, #tpu.memory_space<hbm>> -> memref<128xi32, #tpu.memory_space<hbm>>
      %dma_start3A_50 = tpu.memref_slice %arg3[%mul3A_2] : memref<4096xi32, #tpu.memory_space<hbm>> -> memref<128xi32, #tpu.memory_space<hbm>>
      tpu.enqueue_dma source(%dma_start3A_50 : memref<128xi32, #tpu.memory_space<hbm>>) target(%arg5 : memref<128xi32, #tpu.memory_space<vmem>>) target_semaphore(%run_scoped3A : memref<!tpu.dma_semaphore, #tpu.memory_space<semaphore_mem>>)
      %dma_wait3A_51 = tpu.memref_slice %arg3[%mul3A_2] : memref<4096xi32, #tpu.memory_space<hbm>> -> memref<128xi32, #tpu.memory_space<hbm>>
      %dma_wait3A_52 = tpu.memref_slice %arg3[%mul3A_2] : memref<4096xi32, #tpu.memory_space<hbm>> -> memref<128xi32, #tpu.memory_space<hbm>>
      tpu.wait_dma2 semaphore(%run_scoped3A : memref<!tpu.dma_semaphore, #tpu.memory_space<semaphore_mem>>) src(%dma_wait3A_52 : memref<128xi32, #tpu.memory_space<hbm>>) dst(%arg5 : memref<128xi32, #tpu.memory_space<vmem>>)
      tpu.yield
    }) : () -> ()
    %dma_start3A = arith.constant 0 : i32
    %dma_start3A_3 = tpu.memref_slice %arg5[%dma_start3A] : memref<128xi32, #tpu.memory_space<vmem>> -> memref<32xi32, #tpu.memory_space<vmem>>
    %dma_start3A_4 = arith.constant 0 : i32
    %dma_start3A_5 = arith.constant 0 : i32
    %dma_start3A_6 = tpu.memref_slice %arg2[%dma_start3A_4, %dma_start3A_5] : memref<8192x1024xf32, #tpu.memory_space<hbm>> -> memref<8192x1024xf32, #tpu.memory_space<hbm>>
    tpu.enqueue_indirect_dma source(%dma_start3A_6 : memref<8192x1024xf32, #tpu.memory_space<hbm>>) target(%arg6 : memref<32x1024xf32, #tpu.memory_space<vmem>>) offsets(%dma_start3A_3 : memref<32xi32, #tpu.memory_space<vmem>>) semaphore(%arg7 : memref<!tpu.dma_semaphore, #tpu.memory_space<semaphore_mem>>)
    %dma_wait3A = arith.constant 0 : i32
    %dma_wait3A_7 = tpu.memref_slice %arg5[%dma_wait3A] : memref<128xi32, #tpu.memory_space<vmem>> -> memref<32xi32, #tpu.memory_space<vmem>>
    %dma_wait3A_8 = arith.constant 0 : i32
    %dma_wait3A_9 = arith.constant 0 : i32
    %dma_wait3A_10 = tpu.memref_slice %arg2[%dma_wait3A_8, %dma_wait3A_9] : memref<8192x1024xf32, #tpu.memory_space<hbm>> -> memref<8192x1024xf32, #tpu.memory_space<hbm>>
    tpu.wait_indirect_dma semaphore(%arg7 : memref<!tpu.dma_semaphore, #tpu.memory_space<semaphore_mem>>) src(%dma_wait3A_10 : memref<8192x1024xf32, #tpu.memory_space<hbm>>) dst(%arg6 : memref<32x1024xf32, #tpu.memory_space<vmem>>)
    %add3A_11 = arith.constant 0 : i32
    %add3A_12 = arith.addi %mul3A_2, %add3A_11 : i32
    "tpu.region"() ({
      %run_scoped3A = tpu.sem_alloc : memref<!tpu.dma_semaphore, #tpu.memory_space<semaphore_mem>>
      %dma_start3A_49 = arith.constant 0 : i32
      %dma_start3A_50 = tpu.memref_slice %arg4[%add3A_12, %dma_start3A_49] : memref<4096x1024xf32, #tpu.memory_space<hbm>> -> memref<32x1024xf32, #tpu.memory_space<hbm>>
      %dma_start3A_51 = arith.constant 0 : i32
      %dma_start3A_52 = tpu.memref_slice %arg4[%add3A_12, %dma_start3A_51] : memref<4096x1024xf32, #tpu.memory_space<hbm>> -> memref<32x1024xf32, #tpu.memory_space<hbm>>
      tpu.enqueue_dma source(%arg6 : memref<32x1024xf32, #tpu.memory_space<vmem>>) target(%dma_start3A_52 : memref<32x1024xf32, #tpu.memory_space<hbm>>) target_semaphore(%run_scoped3A : memref<!tpu.dma_semaphore, #tpu.memory_space<semaphore_mem>>)
      %dma_wait3A_53 = arith.constant 0 : i32
      %dma_wait3A_54 = tpu.memref_slice %arg4[%add3A_12, %dma_wait3A_53] : memref<4096x1024xf32, #tpu.memory_space<hbm>> -> memref<32x1024xf32, #tpu.memory_space<hbm>>
      %dma_wait3A_55 = arith.constant 0 : i32
      %dma_wait3A_56 = tpu.memref_slice %arg4[%add3A_12, %dma_wait3A_55] : memref<4096x1024xf32, #tpu.memory_space<hbm>> -> memref<32x1024xf32, #tpu.memory_space<hbm>>
      tpu.wait_dma2 semaphore(%run_scoped3A : memref<!tpu.dma_semaphore, #tpu.memory_space<semaphore_mem>>) src(%arg6 : memref<32x1024xf32, #tpu.memory_space<vmem>>) dst(%dma_wait3A_56 : memref<32x1024xf32, #tpu.memory_space<hbm>>)
      tpu.yield
    }) : () -> ()
    %dma_start3A_13 = arith.constant 32 : i32
    %dma_start3A_14 = tpu.memref_slice %arg5[%dma_start3A_13] : memref<128xi32, #tpu.memory_space<vmem>> -> memref<32xi32, #tpu.memory_space<vmem>>
    %dma_start3A_15 = arith.constant 0 : i32
    %dma_start3A_16 = arith.constant 0 : i32
    %dma_start3A_17 = tpu.memref_slice %arg2[%dma_start3A_15, %dma_start3A_16] : memref<8192x1024xf32, #tpu.memory_space<hbm>> -> memref<8192x1024xf32, #tpu.memory_space<hbm>>
    tpu.enqueue_indirect_dma source(%dma_start3A_17 : memref<8192x1024xf32, #tpu.memory_space<hbm>>) target(%arg6 : memref<32x1024xf32, #tpu.memory_space<vmem>>) offsets(%dma_start3A_14 : memref<32xi32, #tpu.memory_space<vmem>>) semaphore(%arg7 : memref<!tpu.dma_semaphore, #tpu.memory_space<semaphore_mem>>)
    %dma_wait3A_18 = arith.constant 32 : i32
    %dma_wait3A_19 = tpu.memref_slice %arg5[%dma_wait3A_18] : memref<128xi32, #tpu.memory_space<vmem>> -> memref<32xi32, #tpu.memory_space<vmem>>
    %dma_wait3A_20 = arith.constant 0 : i32
    %dma_wait3A_21 = arith.constant 0 : i32
    %dma_wait3A_22 = tpu.memref_slice %arg2[%dma_wait3A_20, %dma_wait3A_21] : memref<8192x1024xf32, #tpu.memory_space<hbm>> -> memref<8192x1024xf32, #tpu.memory_space<hbm>>
    tpu.wait_indirect_dma semaphore(%arg7 : memref<!tpu.dma_semaphore, #tpu.memory_space<semaphore_mem>>) src(%dma_wait3A_22 : memref<8192x1024xf32, #tpu.memory_space<hbm>>) dst(%arg6 : memref<32x1024xf32, #tpu.memory_space<vmem>>)
    %add3A_23 = arith.constant 32 : i32
    %add3A_24 = arith.addi %mul3A_2, %add3A_23 : i32
    "tpu.region"() ({
      %run_scoped3A = tpu.sem_alloc : memref<!tpu.dma_semaphore, #tpu.memory_space<semaphore_mem>>
      %dma_start3A_49 = arith.constant 0 : i32
      %dma_start3A_50 = tpu.memref_slice %arg4[%add3A_24, %dma_start3A_49] : memref<4096x1024xf32, #tpu.memory_space<hbm>> -> memref<32x1024xf32, #tpu.memory_space<hbm>>
      %dma_start3A_51 = arith.constant 0 : i32
      %dma_start3A_52 = tpu.memref_slice %arg4[%add3A_24, %dma_start3A_51] : memref<4096x1024xf32, #tpu.memory_space<hbm>> -> memref<32x1024xf32, #tpu.memory_space<hbm>>
      tpu.enqueue_dma source(%arg6 : memref<32x1024xf32, #tpu.memory_space<vmem>>) target(%dma_start3A_52 : memref<32x1024xf32, #tpu.memory_space<hbm>>) target_semaphore(%run_scoped3A : memref<!tpu.dma_semaphore, #tpu.memory_space<semaphore_mem>>)
      %dma_wait3A_53 = arith.constant 0 : i32
      %dma_wait3A_54 = tpu.memref_slice %arg4[%add3A_24, %dma_wait3A_53] : memref<4096x1024xf32, #tpu.memory_space<hbm>> -> memref<32x1024xf32, #tpu.memory_space<hbm>>
      %dma_wait3A_55 = arith.constant 0 : i32
      %dma_wait3A_56 = tpu.memref_slice %arg4[%add3A_24, %dma_wait3A_55] : memref<4096x1024xf32, #tpu.memory_space<hbm>> -> memref<32x1024xf32, #tpu.memory_space<hbm>>
      tpu.wait_dma2 semaphore(%run_scoped3A : memref<!tpu.dma_semaphore, #tpu.memory_space<semaphore_mem>>) src(%arg6 : memref<32x1024xf32, #tpu.memory_space<vmem>>) dst(%dma_wait3A_56 : memref<32x1024xf32, #tpu.memory_space<hbm>>)
      tpu.yield
    }) : () -> ()
    %dma_start3A_25 = arith.constant 64 : i32
    %dma_start3A_26 = tpu.memref_slice %arg5[%dma_start3A_25] : memref<128xi32, #tpu.memory_space<vmem>> -> memref<32xi32, #tpu.memory_space<vmem>>
    %dma_start3A_27 = arith.constant 0 : i32
    %dma_start3A_28 = arith.constant 0 : i32
    %dma_start3A_29 = tpu.memref_slice %arg2[%dma_start3A_27, %dma_start3A_28] : memref<8192x1024xf32, #tpu.memory_space<hbm>> -> memref<8192x1024xf32, #tpu.memory_space<hbm>>
    tpu.enqueue_indirect_dma source(%dma_start3A_29 : memref<8192x1024xf32, #tpu.memory_space<hbm>>) target(%arg6 : memref<32x1024xf32, #tpu.memory_space<vmem>>) offsets(%dma_start3A_26 : memref<32xi32, #tpu.memory_space<vmem>>) semaphore(%arg7 : memref<!tpu.dma_semaphore, #tpu.memory_space<semaphore_mem>>)
    %dma_wait3A_30 = arith.constant 64 : i32
    %dma_wait3A_31 = tpu.memref_slice %arg5[%dma_wait3A_30] : memref<128xi32, #tpu.memory_space<vmem>> -> memref<32xi32, #tpu.memory_space<vmem>>
    %dma_wait3A_32 = arith.constant 0 : i32
    %dma_wait3A_33 = arith.constant 0 : i32
    %dma_wait3A_34 = tpu.memref_slice %arg2[%dma_wait3A_32, %dma_wait3A_33] : memref<8192x1024xf32, #tpu.memory_space<hbm>> -> memref<8192x1024xf32, #tpu.memory_space<hbm>>
    tpu.wait_indirect_dma semaphore(%arg7 : memref<!tpu.dma_semaphore, #tpu.memory_space<semaphore_mem>>) src(%dma_wait3A_34 : memref<8192x1024xf32, #tpu.memory_space<hbm>>) dst(%arg6 : memref<32x1024xf32, #tpu.memory_space<vmem>>)
    %add3A_35 = arith.constant 64 : i32
    %add3A_36 = arith.addi %mul3A_2, %add3A_35 : i32
    "tpu.region"() ({
      %run_scoped3A = tpu.sem_alloc : memref<!tpu.dma_semaphore, #tpu.memory_space<semaphore_mem>>
      %dma_start3A_49 = arith.constant 0 : i32
      %dma_start3A_50 = tpu.memref_slice %arg4[%add3A_36, %dma_start3A_49] : memref<4096x1024xf32, #tpu.memory_space<hbm>> -> memref<32x1024xf32, #tpu.memory_space<hbm>>
      %dma_start3A_51 = arith.constant 0 : i32
      %dma_start3A_52 = tpu.memref_slice %arg4[%add3A_36, %dma_start3A_51] : memref<4096x1024xf32, #tpu.memory_space<hbm>> -> memref<32x1024xf32, #tpu.memory_space<hbm>>
      tpu.enqueue_dma source(%arg6 : memref<32x1024xf32, #tpu.memory_space<vmem>>) target(%dma_start3A_52 : memref<32x1024xf32, #tpu.memory_space<hbm>>) target_semaphore(%run_scoped3A : memref<!tpu.dma_semaphore, #tpu.memory_space<semaphore_mem>>)
      %dma_wait3A_53 = arith.constant 0 : i32
      %dma_wait3A_54 = tpu.memref_slice %arg4[%add3A_36, %dma_wait3A_53] : memref<4096x1024xf32, #tpu.memory_space<hbm>> -> memref<32x1024xf32, #tpu.memory_space<hbm>>
      %dma_wait3A_55 = arith.constant 0 : i32
      %dma_wait3A_56 = tpu.memref_slice %arg4[%add3A_36, %dma_wait3A_55] : memref<4096x1024xf32, #tpu.memory_space<hbm>> -> memref<32x1024xf32, #tpu.memory_space<hbm>>
      tpu.wait_dma2 semaphore(%run_scoped3A : memref<!tpu.dma_semaphore, #tpu.memory_space<semaphore_mem>>) src(%arg6 : memref<32x1024xf32, #tpu.memory_space<vmem>>) dst(%dma_wait3A_56 : memref<32x1024xf32, #tpu.memory_space<hbm>>)
      tpu.yield
    }) : () -> ()
    %dma_start3A_37 = arith.constant 96 : i32
    %dma_start3A_38 = tpu.memref_slice %arg5[%dma_start3A_37] : memref<128xi32, #tpu.memory_space<vmem>> -> memref<32xi32, #tpu.memory_space<vmem>>
    %dma_start3A_39 = arith.constant 0 : i32
    %dma_start3A_40 = arith.constant 0 : i32
    %dma_start3A_41 = tpu.memref_slice %arg2[%dma_start3A_39, %dma_start3A_40] : memref<8192x1024xf32, #tpu.memory_space<hbm>> -> memref<8192x1024xf32, #tpu.memory_space<hbm>>
    tpu.enqueue_indirect_dma source(%dma_start3A_41 : memref<8192x1024xf32, #tpu.memory_space<hbm>>) target(%arg6 : memref<32x1024xf32, #tpu.memory_space<vmem>>) offsets(%dma_start3A_38 : memref<32xi32, #tpu.memory_space<vmem>>) semaphore(%arg7 : memref<!tpu.dma_semaphore, #tpu.memory_space<semaphore_mem>>)
    %dma_wait3A_42 = arith.constant 96 : i32
    %dma_wait3A_43 = tpu.memref_slice %arg5[%dma_wait3A_42] : memref<128xi32, #tpu.memory_space<vmem>> -> memref<32xi32, #tpu.memory_space<vmem>>
    %dma_wait3A_44 = arith.constant 0 : i32
    %dma_wait3A_45 = arith.constant 0 : i32
    %dma_wait3A_46 = tpu.memref_slice %arg2[%dma_wait3A_44, %dma_wait3A_45] : memref<8192x1024xf32, #tpu.memory_space<hbm>> -> memref<8192x1024xf32, #tpu.memory_space<hbm>>
    tpu.wait_indirect_dma semaphore(%arg7 : memref<!tpu.dma_semaphore, #tpu.memory_space<semaphore_mem>>) src(%dma_wait3A_46 : memref<8192x1024xf32, #tpu.memory_space<hbm>>) dst(%arg6 : memref<32x1024xf32, #tpu.memory_space<vmem>>)
    %add3A_47 = arith.constant 96 : i32
    %add3A_48 = arith.addi %mul3A_2, %add3A_47 : i32
    "tpu.region"() ({
      %run_scoped3A = tpu.sem_alloc : memref<!tpu.dma_semaphore, #tpu.memory_space<semaphore_mem>>
      %dma_start3A_49 = arith.constant 0 : i32
      %dma_start3A_50 = tpu.memref_slice %arg4[%add3A_48, %dma_start3A_49] : memref<4096x1024xf32, #tpu.memory_space<hbm>> -> memref<32x1024xf32, #tpu.memory_space<hbm>>
      %dma_start3A_51 = arith.constant 0 : i32
      %dma_start3A_52 = tpu.memref_slice %arg4[%add3A_48, %dma_start3A_51] : memref<4096x1024xf32, #tpu.memory_space<hbm>> -> memref<32x1024xf32, #tpu.memory_space<hbm>>
      tpu.enqueue_dma source(%arg6 : memref<32x1024xf32, #tpu.memory_space<vmem>>) target(%dma_start3A_52 : memref<32x1024xf32, #tpu.memory_space<hbm>>) target_semaphore(%run_scoped3A : memref<!tpu.dma_semaphore, #tpu.memory_space<semaphore_mem>>)
      %dma_wait3A_53 = arith.constant 0 : i32
      %dma_wait3A_54 = tpu.memref_slice %arg4[%add3A_48, %dma_wait3A_53] : memref<4096x1024xf32, #tpu.memory_space<hbm>> -> memref<32x1024xf32, #tpu.memory_space<hbm>>
      %dma_wait3A_55 = arith.constant 0 : i32
      %dma_wait3A_56 = tpu.memref_slice %arg4[%add3A_48, %dma_wait3A_55] : memref<4096x1024xf32, #tpu.memory_space<hbm>> -> memref<32x1024xf32, #tpu.memory_space<hbm>>
      tpu.wait_dma2 semaphore(%run_scoped3A : memref<!tpu.dma_semaphore, #tpu.memory_space<semaphore_mem>>) src(%arg6 : memref<32x1024xf32, #tpu.memory_space<vmem>>) dst(%dma_wait3A_56 : memref<32x1024xf32, #tpu.memory_space<hbm>>)
      tpu.yield
    }) : () -> ()
    return
  }
}

module attributes {stable_mosaic.version = 14 : i64} {
  func.func @_select_body(%arg0: i32, %arg1: i32, %arg2: memref<1024x1024xf32, #tpu.memory_space<vmem>>, %arg3: memref<1024x1024xf32, #tpu.memory_space<vmem>>, %arg4: memref<1024x128xi32, #tpu.memory_space<vmem>>, %arg5: memref<1024x128xf32, #tpu.memory_space<vmem>>, %arg6: memref<1024x1xf32, #tpu.memory_space<vmem>>, %arg7: memref<1024x1xi32, #tpu.memory_space<vmem>>) attributes {dimension_semantics = [#tpu.dimension_semantics<arbitrary>, #tpu.dimension_semantics<arbitrary>], iteration_bounds = array<i64: 4, 8>, scalar_prefetch = 0 : i64, scratch_operands = 2 : i64, tpu.core_type = #tpu.core_type<tc>, window_params = [{transform_indices = @transform_0, window_bounds = array<i64: 1024, 1024>}, {transform_indices = @transform_1, window_bounds = array<i64: 1024, 1024>}, {transform_indices = @transform_2, window_bounds = array<i64: 1024, 128>}, {transform_indices = @transform_3, window_bounds = array<i64: 1024, 128>}]} {
    %get3A = arith.constant 0 : index
    %get3A_0 = arith.constant 0 : index
    %get3A_1 = vector.load %arg2[%get3A, %get3A_0] : memref<1024x1024xf32, #tpu.memory_space<vmem>>, vector<1024x1024xf32>
    %get3A_2 = arith.constant 0 : index
    %get3A_3 = arith.constant 0 : index
    %get3A_4 = vector.load %arg3[%get3A_2, %get3A_3] : memref<1024x1024xf32, #tpu.memory_space<vmem>>, vector<1024x1024xf32>
    %dot_general3A = arith.constant dense<0.000000e+00> : vector<1024x1024xf32>
    %dot_general3A_5 = tpu.matmul %get3A_1, %get3A_4, %dot_general3A {dimension_numbers = #tpu.dot_dimension_numbers<[1], [0], [0], [1], [0, 0, 1, 1], [], []>, transpose_lhs_hint = false} : vector<1024x1024xf32>, vector<1024x1024xf32>, vector<1024x1024xf32> -> vector<1024x1024xf32>
    %mul3A = arith.mulf %get3A_1, %get3A_1 : vector<1024x1024xf32>
    %reduce_sum3A = arith.constant dense<0.000000e+00> : vector<1024xf32>
    %reduce_sum3A_6 = vector.multi_reduction <add>, %mul3A, %reduce_sum3A [1] : vector<1024x1024xf32> to vector<1024xf32>
    %broadcast_in_dim3A = vector.shape_cast %reduce_sum3A_6 : vector<1024xf32> to vector<1024x1xf32>
    %mul3A_7 = arith.mulf %get3A_4, %get3A_4 : vector<1024x1024xf32>
    %reduce_sum3A_8 = arith.constant dense<0.000000e+00> : vector<1024xf32>
    %reduce_sum3A_9 = vector.multi_reduction <add>, %mul3A_7, %reduce_sum3A_8 [0] : vector<1024x1024xf32> to vector<1024xf32>
    %broadcast_in_dim3A_10 = vector.shape_cast %reduce_sum3A_9 : vector<1024xf32> to vector<1x1024xf32>
    %add3A = vector.broadcast %broadcast_in_dim3A : vector<1024x1xf32> to vector<1024x1024xf32>
    %add3A_11 = vector.broadcast %broadcast_in_dim3A_10 : vector<1x1024xf32> to vector<1024x1024xf32>
    %add3A_12 = arith.addf %add3A, %add3A_11 : vector<1024x1024xf32>
    %mul3A_13 = arith.constant 2.000000e+00 : f32
    %mul3A_14 = vector.broadcast %mul3A_13 : f32 to vector<1024x1024xf32>
    %mul3A_15 = arith.mulf %mul3A_14, %dot_general3A_5 : vector<1024x1024xf32>
    %sub3A = arith.subf %add3A_12, %mul3A_15 : vector<1024x1024xf32>
    %max3A = arith.constant 0.000000e+00 : f32
    %max3A_16 = vector.broadcast %max3A : f32 to vector<1024x1024xf32>
    %max3A_17 = arith.maximumf %sub3A, %max3A_16 : vector<1024x1024xf32>
    %sqrt3A = math.sqrt %max3A_17 : vector<1024x1024xf32>
    %add3A_18 = arith.constant 9.99999968E-21 : f32
    %add3A_19 = vector.broadcast %add3A_18 : f32 to vector<1024x1024xf32>
    %add3A_20 = arith.addf %sqrt3A, %add3A_19 : vector<1024x1024xf32>
    %mul3A_21 = arith.constant 1.000000e+00 : f32
    %mul3A_22 = vector.broadcast %mul3A_21 : f32 to vector<1024x1024xf32>
    %mul3A_23 = arith.mulf %mul3A_22, %add3A_20 : vector<1024x1024xf32>
    %exp3A = math.exp %mul3A_23 : vector<1024x1024xf32>
    %mul3A_24 = arith.constant -1.000000e+00 : f32
    %mul3A_25 = vector.broadcast %mul3A_24 : f32 to vector<1024x1024xf32>
    %mul3A_26 = arith.mulf %mul3A_25, %add3A_20 : vector<1024x1024xf32>
    %exp3A_27 = math.exp %mul3A_26 : vector<1024x1024xf32>
    %add3A_28 = arith.addf %exp3A, %exp3A_27 : vector<1024x1024xf32>
    %sub3A_29 = arith.constant -1.000000e+00 : f32
    %sub3A_30 = vector.broadcast %sub3A_29 : f32 to vector<1024x1024xf32>
    %sub3A_31 = arith.subf %add3A_28, %sub3A_30 : vector<1024x1024xf32>
    %mul3A_32 = arith.constant 1.000000e+00 : f32
    %mul3A_33 = vector.broadcast %mul3A_32 : f32 to vector<1024x1024xf32>
    %mul3A_34 = arith.mulf %mul3A_33, %sub3A_31 : vector<1024x1024xf32>
    %reduce_max3A = arith.constant dense<0xFF800000> : vector<1024xf32>
    %reduce_max3A_35 = vector.multi_reduction <maximumf>, %mul3A_34, %reduce_max3A [1] : vector<1024x1024xf32> to vector<1024xf32>
    %broadcast_in_dim3A_36 = vector.shape_cast %reduce_max3A_35 : vector<1024xf32> to vector<1024x1xf32>
    %iota3A = tpu.iota {dimensions = array<i32: 1>} : vector<1024x1024xi32>
    %eq3A = vector.broadcast %broadcast_in_dim3A_36 : vector<1024x1xf32> to vector<1024x1024xf32>
    %eq3A_37 = arith.cmpf oeq, %mul3A_34, %eq3A : vector<1024x1024xf32>
    %jit3A = arith.constant 8192 : i32
    %broadcast_in_dim3A_38 = vector.broadcast %jit3A : i32 to vector<1024x1024xi32>
    %select_n3A = arith.select %eq3A_37, %iota3A, %broadcast_in_dim3A_38 : vector<1024x1024xi1>, vector<1024x1024xi32>
    %reduce_min3A = arith.constant dense<2147483647> : vector<1024xi32>
    %reduce_min3A_39 = vector.multi_reduction <minsi>, %select_n3A, %reduce_min3A [1] : vector<1024x1024xi32> to vector<1024xi32>
    %broadcast_in_dim3A_40 = vector.shape_cast %reduce_min3A_39 : vector<1024xi32> to vector<1024x1xi32>
    %mul3A_41 = arith.constant 1024 : i32
    %mul3A_42 = arith.muli %arg1, %mul3A_41 : i32
    %add3A_43 = vector.broadcast %mul3A_42 : i32 to vector<1024x1xi32>
    %add3A_44 = arith.addi %add3A_43, %broadcast_in_dim3A_40 : vector<1024x1xi32>
    %eq3A_45 = arith.constant 0 : i32
    %eq3A_46 = arith.cmpi eq, %arg1, %eq3A_45 : i32
    %convert_element_type3A = arith.extui %eq3A_46 : i1 to i32
    %cond3A = arith.constant 0 : i32
    %cond3A_47 = arith.cmpi ne, %convert_element_type3A, %cond3A : i32
    scf.if %cond3A_47 {
      %broadcast_in_dim3A_69 = arith.constant 0xFF800000 : f32
      %broadcast_in_dim3A_70 = vector.broadcast %broadcast_in_dim3A_69 : f32 to vector<1024x1xf32>
      %swap3A_71 = arith.constant 0 : index
      %swap3A_72 = arith.constant 0 : index
      %swap3A_73 = vector.load %arg6[%swap3A_71, %swap3A_72] : memref<1024x1xf32, #tpu.memory_space<vmem>>, vector<1024x1xf32>
      tpu.vector_store %arg6[%swap3A_71, %swap3A_72], %broadcast_in_dim3A_70 {strides = array<i32>} : memref<1024x1xf32, #tpu.memory_space<vmem>>, vector<1024x1xf32>,
      %broadcast_in_dim3A_74 = arith.constant 0 : i32
      %broadcast_in_dim3A_75 = vector.broadcast %broadcast_in_dim3A_74 : i32 to vector<1024x1xi32>
      %swap3A_76 = arith.constant 0 : index
      %swap3A_77 = arith.constant 0 : index
      %swap3A_78 = vector.load %arg7[%swap3A_76, %swap3A_77] : memref<1024x1xi32, #tpu.memory_space<vmem>>, vector<1024x1xi32>
      tpu.vector_store %arg7[%swap3A_76, %swap3A_77], %broadcast_in_dim3A_75 {strides = array<i32>} : memref<1024x1xi32, #tpu.memory_space<vmem>>, vector<1024x1xi32>,
    } else {
    }
    %get3A_48 = arith.constant 0 : index
    %get3A_49 = arith.constant 0 : index
    %get3A_50 = vector.load %arg6[%get3A_48, %get3A_49] : memref<1024x1xf32, #tpu.memory_space<vmem>>, vector<1024x1xf32>
    %gt3A = arith.cmpf ogt, %broadcast_in_dim3A_36, %get3A_50 : vector<1024x1xf32>
    %get3A_51 = arith.constant 0 : index
    %get3A_52 = arith.constant 0 : index
    %get3A_53 = vector.load %arg6[%get3A_51, %get3A_52] : memref<1024x1xf32, #tpu.memory_space<vmem>>, vector<1024x1xf32>
    %select_n3A_54 = arith.select %gt3A, %broadcast_in_dim3A_36, %get3A_53 : vector<1024x1xi1>, vector<1024x1xf32>
    %get3A_55 = arith.constant 0 : index
    %get3A_56 = arith.constant 0 : index
    %get3A_57 = vector.load %arg7[%get3A_55, %get3A_56] : memref<1024x1xi32, #tpu.memory_space<vmem>>, vector<1024x1xi32>
    %select_n3A_58 = arith.select %gt3A, %add3A_44, %get3A_57 : vector<1024x1xi1>, vector<1024x1xi32>
    %swap3A = arith.constant 0 : index
    %swap3A_59 = arith.constant 0 : index
    %swap3A_60 = vector.load %arg6[%swap3A, %swap3A_59] : memref<1024x1xf32, #tpu.memory_space<vmem>>, vector<1024x1xf32>
    tpu.vector_store %arg6[%swap3A, %swap3A_59], %select_n3A_54 {strides = array<i32>} : memref<1024x1xf32, #tpu.memory_space<vmem>>, vector<1024x1xf32>,
    %swap3A_61 = arith.constant 0 : index
    %swap3A_62 = arith.constant 0 : index
    %swap3A_63 = vector.load %arg7[%swap3A_61, %swap3A_62] : memref<1024x1xi32, #tpu.memory_space<vmem>>, vector<1024x1xi32>
    tpu.vector_store %arg7[%swap3A_61, %swap3A_62], %select_n3A_58 {strides = array<i32>} : memref<1024x1xi32, #tpu.memory_space<vmem>>, vector<1024x1xi32>,
    %eq3A_64 = arith.constant 7 : i32
    %eq3A_65 = arith.cmpi eq, %arg1, %eq3A_64 : i32
    %convert_element_type3A_66 = arith.extui %eq3A_65 : i1 to i32
    %cond3A_67 = arith.constant 0 : i32
    %cond3A_68 = arith.cmpi ne, %convert_element_type3A_66, %cond3A_67 : i32
    scf.if %cond3A_68 {
      %broadcast_in_dim3A_69 = vector.shape_cast %select_n3A_58 : vector<1024x1xi32> to vector<1024x1xi32>
      %broadcast_in_dim3A_70 = vector.broadcast %broadcast_in_dim3A_69 : vector<1024x1xi32> to vector<1024x128xi32>
      %swap3A_71 = arith.constant 0 : index
      %swap3A_72 = arith.constant 0 : index
      %swap3A_73 = vector.load %arg4[%swap3A_71, %swap3A_72] : memref<1024x128xi32, #tpu.memory_space<vmem>>, vector<1024x128xi32>
      tpu.vector_store %arg4[%swap3A_71, %swap3A_72], %broadcast_in_dim3A_70 {strides = array<i32>} : memref<1024x128xi32, #tpu.memory_space<vmem>>, vector<1024x128xi32>,
      %broadcast_in_dim3A_74 = vector.shape_cast %select_n3A_54 : vector<1024x1xf32> to vector<1024x1xf32>
      %broadcast_in_dim3A_75 = vector.broadcast %broadcast_in_dim3A_74 : vector<1024x1xf32> to vector<1024x128xf32>
      %swap3A_76 = arith.constant 0 : index
      %swap3A_77 = arith.constant 0 : index
      %swap3A_78 = vector.load %arg5[%swap3A_76, %swap3A_77] : memref<1024x128xf32, #tpu.memory_space<vmem>>, vector<1024x128xf32>
      tpu.vector_store %arg5[%swap3A_76, %swap3A_77], %broadcast_in_dim3A_75 {strides = array<i32>} : memref<1024x128xf32, #tpu.memory_space<vmem>>, vector<1024x128xf32>,
    } else {
    }
    return
  }
  func.func @transform_0(%arg0: i32, %arg1: i32) -> (i32, i32) {
    %c0_i32 = arith.constant 0 : i32
    %c0_i32_0 = arith.constant 0 : i32
    return %arg0, %c0_i32 : i32, i32
  }
  func.func @transform_1(%arg0: i32, %arg1: i32) -> (i32, i32) {
    %c0_i32 = arith.constant 0 : i32
    %c0_i32_0 = arith.constant 0 : i32
    return %c0_i32, %arg1 : i32, i32
  }
  func.func @transform_2(%arg0: i32, %arg1: i32) -> (i32, i32) {
    %c0_i32 = arith.constant 0 : i32
    %c0_i32_0 = arith.constant 0 : i32
    return %arg0, %c0_i32 : i32, i32
  }
  func.func @transform_3(%arg0: i32, %arg1: i32) -> (i32, i32) {
    %c0_i32 = arith.constant 0 : i32
    %c0_i32_0 = arith.constant 0 : i32
    return %arg0, %c0_i32 : i32, i32
  }
}

module attributes {stable_mosaic.version = 14 : i64} {
  func.func @_select_g_body(%arg0: i32, %arg1: i32, %arg2: memref<1024x1024xf32, #tpu.memory_space<vmem>>, %arg3: memref<1024x1024xf32, #tpu.memory_space<vmem>>, %arg4: memref<1024x1024xf32, #tpu.memory_space<vmem>>, %arg5: memref<1024x128xi32, #tpu.memory_space<vmem>>, %arg6: memref<1024x1xf32, #tpu.memory_space<vmem>>, %arg7: memref<1024x1xi32, #tpu.memory_space<vmem>>) attributes {dimension_semantics = [#tpu.dimension_semantics<arbitrary>, #tpu.dimension_semantics<arbitrary>], iteration_bounds = array<i64: 4, 8>, scalar_prefetch = 0 : i64, scratch_operands = 2 : i64, tpu.core_type = #tpu.core_type<tc>, window_params = [{transform_indices = @transform_0, window_bounds = array<i64: 1024, 1024>}, {transform_indices = @transform_1, window_bounds = array<i64: 1024, 1024>}, {transform_indices = @transform_2, window_bounds = array<i64: 1024, 1024>}, {transform_indices = @transform_3, window_bounds = array<i64: 1024, 128>}]} {
    %get3A = arith.constant 0 : index
    %get3A_0 = arith.constant 0 : index
    %get3A_1 = vector.load %arg2[%get3A, %get3A_0] : memref<1024x1024xf32, #tpu.memory_space<vmem>>, vector<1024x1024xf32>
    %get3A_2 = arith.constant 0 : index
    %get3A_3 = arith.constant 0 : index
    %get3A_4 = vector.load %arg3[%get3A_2, %get3A_3] : memref<1024x1024xf32, #tpu.memory_space<vmem>>, vector<1024x1024xf32>
    %dot_general3A = arith.constant dense<0.000000e+00> : vector<1024x1024xf32>
    %dot_general3A_5 = tpu.matmul %get3A_1, %get3A_4, %dot_general3A {dimension_numbers = #tpu.dot_dimension_numbers<[1], [0], [0], [1], [0, 0, 1, 1], [], []>, transpose_lhs_hint = false} : vector<1024x1024xf32>, vector<1024x1024xf32>, vector<1024x1024xf32> -> vector<1024x1024xf32>
    %mul3A = arith.mulf %get3A_1, %get3A_1 : vector<1024x1024xf32>
    %reduce_sum3A = arith.constant dense<0.000000e+00> : vector<1024xf32>
    %reduce_sum3A_6 = vector.multi_reduction <add>, %mul3A, %reduce_sum3A [1] : vector<1024x1024xf32> to vector<1024xf32>
    %broadcast_in_dim3A = vector.shape_cast %reduce_sum3A_6 : vector<1024xf32> to vector<1024x1xf32>
    %mul3A_7 = arith.mulf %get3A_4, %get3A_4 : vector<1024x1024xf32>
    %reduce_sum3A_8 = arith.constant dense<0.000000e+00> : vector<1024xf32>
    %reduce_sum3A_9 = vector.multi_reduction <add>, %mul3A_7, %reduce_sum3A_8 [0] : vector<1024x1024xf32> to vector<1024xf32>
    %broadcast_in_dim3A_10 = vector.shape_cast %reduce_sum3A_9 : vector<1024xf32> to vector<1x1024xf32>
    %add3A = vector.broadcast %broadcast_in_dim3A : vector<1024x1xf32> to vector<1024x1024xf32>
    %add3A_11 = vector.broadcast %broadcast_in_dim3A_10 : vector<1x1024xf32> to vector<1024x1024xf32>
    %add3A_12 = arith.addf %add3A, %add3A_11 : vector<1024x1024xf32>
    %mul3A_13 = arith.constant 2.000000e+00 : f32
    %mul3A_14 = vector.broadcast %mul3A_13 : f32 to vector<1024x1024xf32>
    %mul3A_15 = arith.mulf %mul3A_14, %dot_general3A_5 : vector<1024x1024xf32>
    %sub3A = arith.subf %add3A_12, %mul3A_15 : vector<1024x1024xf32>
    %max3A = arith.constant 0.000000e+00 : f32
    %max3A_16 = vector.broadcast %max3A : f32 to vector<1024x1024xf32>
    %max3A_17 = arith.maximumf %sub3A, %max3A_16 : vector<1024x1024xf32>
    %sqrt3A = math.sqrt %max3A_17 : vector<1024x1024xf32>
    %add3A_18 = arith.constant 9.99999968E-21 : f32
    %add3A_19 = vector.broadcast %add3A_18 : f32 to vector<1024x1024xf32>
    %add3A_20 = arith.addf %sqrt3A, %add3A_19 : vector<1024x1024xf32>
    %mul3A_21 = arith.constant 1.000000e+00 : f32
    %mul3A_22 = vector.broadcast %mul3A_21 : f32 to vector<1024x1024xf32>
    %mul3A_23 = arith.mulf %mul3A_22, %add3A_20 : vector<1024x1024xf32>
    %exp3A = math.exp %mul3A_23 : vector<1024x1024xf32>
    %mul3A_24 = arith.constant -1.000000e+00 : f32
    %mul3A_25 = vector.broadcast %mul3A_24 : f32 to vector<1024x1024xf32>
    %mul3A_26 = arith.mulf %mul3A_25, %add3A_20 : vector<1024x1024xf32>
    %exp3A_27 = math.exp %mul3A_26 : vector<1024x1024xf32>
    %add3A_28 = arith.addf %exp3A, %exp3A_27 : vector<1024x1024xf32>
    %sub3A_29 = arith.constant -1.000000e+00 : f32
    %sub3A_30 = vector.broadcast %sub3A_29 : f32 to vector<1024x1024xf32>
    %sub3A_31 = arith.subf %add3A_28, %sub3A_30 : vector<1024x1024xf32>
    %mul3A_32 = arith.constant 1.000000e+00 : f32
    %mul3A_33 = vector.broadcast %mul3A_32 : f32 to vector<1024x1024xf32>
    %mul3A_34 = arith.mulf %mul3A_33, %sub3A_31 : vector<1024x1024xf32>
    %get3A_35 = arith.constant 0 : index
    %get3A_36 = arith.constant 0 : index
    %get3A_37 = vector.load %arg4[%get3A_35, %get3A_36] : memref<1024x1024xf32, #tpu.memory_space<vmem>>, vector<1024x1024xf32>
    %add3A_38 = arith.addf %mul3A_34, %get3A_37 : vector<1024x1024xf32>
    %reduce_max3A = arith.constant dense<0xFF800000> : vector<1024xf32>
    %reduce_max3A_39 = vector.multi_reduction <maximumf>, %add3A_38, %reduce_max3A [1] : vector<1024x1024xf32> to vector<1024xf32>
    %broadcast_in_dim3A_40 = vector.shape_cast %reduce_max3A_39 : vector<1024xf32> to vector<1024x1xf32>
    %iota3A = tpu.iota {dimensions = array<i32: 1>} : vector<1024x1024xi32>
    %eq3A = vector.broadcast %broadcast_in_dim3A_40 : vector<1024x1xf32> to vector<1024x1024xf32>
    %eq3A_41 = arith.cmpf oeq, %add3A_38, %eq3A : vector<1024x1024xf32>
    %jit3A = arith.constant 8192 : i32
    %broadcast_in_dim3A_42 = vector.broadcast %jit3A : i32 to vector<1024x1024xi32>
    %select_n3A = arith.select %eq3A_41, %iota3A, %broadcast_in_dim3A_42 : vector<1024x1024xi1>, vector<1024x1024xi32>
    %reduce_min3A = arith.constant dense<2147483647> : vector<1024xi32>
    %reduce_min3A_43 = vector.multi_reduction <minsi>, %select_n3A, %reduce_min3A [1] : vector<1024x1024xi32> to vector<1024xi32>
    %broadcast_in_dim3A_44 = vector.shape_cast %reduce_min3A_43 : vector<1024xi32> to vector<1024x1xi32>
    %mul3A_45 = arith.constant 1024 : i32
    %mul3A_46 = arith.muli %arg1, %mul3A_45 : i32
    %add3A_47 = vector.broadcast %mul3A_46 : i32 to vector<1024x1xi32>
    %add3A_48 = arith.addi %add3A_47, %broadcast_in_dim3A_44 : vector<1024x1xi32>
    %eq3A_49 = arith.constant 0 : i32
    %eq3A_50 = arith.cmpi eq, %arg1, %eq3A_49 : i32
    %convert_element_type3A = arith.extui %eq3A_50 : i1 to i32
    %cond3A = arith.constant 0 : i32
    %cond3A_51 = arith.cmpi ne, %convert_element_type3A, %cond3A : i32
    scf.if %cond3A_51 {
      %broadcast_in_dim3A_73 = arith.constant 0xFF800000 : f32
      %broadcast_in_dim3A_74 = vector.broadcast %broadcast_in_dim3A_73 : f32 to vector<1024x1xf32>
      %swap3A_75 = arith.constant 0 : index
      %swap3A_76 = arith.constant 0 : index
      %swap3A_77 = vector.load %arg6[%swap3A_75, %swap3A_76] : memref<1024x1xf32, #tpu.memory_space<vmem>>, vector<1024x1xf32>
      tpu.vector_store %arg6[%swap3A_75, %swap3A_76], %broadcast_in_dim3A_74 {strides = array<i32>} : memref<1024x1xf32, #tpu.memory_space<vmem>>, vector<1024x1xf32>,
      %broadcast_in_dim3A_78 = arith.constant 0 : i32
      %broadcast_in_dim3A_79 = vector.broadcast %broadcast_in_dim3A_78 : i32 to vector<1024x1xi32>
      %swap3A_80 = arith.constant 0 : index
      %swap3A_81 = arith.constant 0 : index
      %swap3A_82 = vector.load %arg7[%swap3A_80, %swap3A_81] : memref<1024x1xi32, #tpu.memory_space<vmem>>, vector<1024x1xi32>
      tpu.vector_store %arg7[%swap3A_80, %swap3A_81], %broadcast_in_dim3A_79 {strides = array<i32>} : memref<1024x1xi32, #tpu.memory_space<vmem>>, vector<1024x1xi32>,
    } else {
    }
    %get3A_52 = arith.constant 0 : index
    %get3A_53 = arith.constant 0 : index
    %get3A_54 = vector.load %arg6[%get3A_52, %get3A_53] : memref<1024x1xf32, #tpu.memory_space<vmem>>, vector<1024x1xf32>
    %gt3A = arith.cmpf ogt, %broadcast_in_dim3A_40, %get3A_54 : vector<1024x1xf32>
    %get3A_55 = arith.constant 0 : index
    %get3A_56 = arith.constant 0 : index
    %get3A_57 = vector.load %arg6[%get3A_55, %get3A_56] : memref<1024x1xf32, #tpu.memory_space<vmem>>, vector<1024x1xf32>
    %select_n3A_58 = arith.select %gt3A, %broadcast_in_dim3A_40, %get3A_57 : vector<1024x1xi1>, vector<1024x1xf32>
    %get3A_59 = arith.constant 0 : index
    %get3A_60 = arith.constant 0 : index
    %get3A_61 = vector.load %arg7[%get3A_59, %get3A_60] : memref<1024x1xi32, #tpu.memory_space<vmem>>, vector<1024x1xi32>
    %select_n3A_62 = arith.select %gt3A, %add3A_48, %get3A_61 : vector<1024x1xi1>, vector<1024x1xi32>
    %swap3A = arith.constant 0 : index
    %swap3A_63 = arith.constant 0 : index
    %swap3A_64 = vector.load %arg6[%swap3A, %swap3A_63] : memref<1024x1xf32, #tpu.memory_space<vmem>>, vector<1024x1xf32>
    tpu.vector_store %arg6[%swap3A, %swap3A_63], %select_n3A_58 {strides = array<i32>} : memref<1024x1xf32, #tpu.memory_space<vmem>>, vector<1024x1xf32>,
    %swap3A_65 = arith.constant 0 : index
    %swap3A_66 = arith.constant 0 : index
    %swap3A_67 = vector.load %arg7[%swap3A_65, %swap3A_66] : memref<1024x1xi32, #tpu.memory_space<vmem>>, vector<1024x1xi32>
    tpu.vector_store %arg7[%swap3A_65, %swap3A_66], %select_n3A_62 {strides = array<i32>} : memref<1024x1xi32, #tpu.memory_space<vmem>>, vector<1024x1xi32>,
    %eq3A_68 = arith.constant 7 : i32
    %eq3A_69 = arith.cmpi eq, %arg1, %eq3A_68 : i32
    %convert_element_type3A_70 = arith.extui %eq3A_69 : i1 to i32
    %cond3A_71 = arith.constant 0 : i32
    %cond3A_72 = arith.cmpi ne, %convert_element_type3A_70, %cond3A_71 : i32
    scf.if %cond3A_72 {
      %broadcast_in_dim3A_73 = vector.shape_cast %select_n3A_62 : vector<1024x1xi32> to vector<1024x1xi32>
      %broadcast_in_dim3A_74 = vector.broadcast %broadcast_in_dim3A_73 : vector<1024x1xi32> to vector<1024x128xi32>
      %swap3A_75 = arith.constant 0 : index
      %swap3A_76 = arith.constant 0 : index
      %swap3A_77 = vector.load %arg5[%swap3A_75, %swap3A_76] : memref<1024x128xi32, #tpu.memory_space<vmem>>, vector<1024x128xi32>
      tpu.vector_store %arg5[%swap3A_75, %swap3A_76], %broadcast_in_dim3A_74 {strides = array<i32>} : memref<1024x128xi32, #tpu.memory_space<vmem>>, vector<1024x128xi32>,
    } else {
    }
    return
  }
  func.func @transform_0(%arg0: i32, %arg1: i32) -> (i32, i32) {
    %c0_i32 = arith.constant 0 : i32
    %c0_i32_0 = arith.constant 0 : i32
    return %arg0, %c0_i32 : i32, i32
  }
  func.func @transform_1(%arg0: i32, %arg1: i32) -> (i32, i32) {
    %c0_i32 = arith.constant 0 : i32
    %c0_i32_0 = arith.constant 0 : i32
    return %c0_i32, %arg1 : i32, i32
  }
  func.func @transform_2(%arg0: i32, %arg1: i32) -> (i32, i32) {
    %c0_i32 = arith.constant 0 : i32
    return %arg0, %arg1 : i32, i32
  }
  func.func @transform_3(%arg0: i32, %arg1: i32) -> (i32, i32) {
    %c0_i32 = arith.constant 0 : i32
    %c0_i32_0 = arith.constant 0 : i32
    return %arg0, %c0_i32 : i32, i32
  }
}

module attributes {stable_mosaic.version = 14 : i64} {
  func.func @_residual_body(%arg0: i32, %arg1: memref<512x1024xf32, #tpu.memory_space<vmem>>, %arg2: memref<512x1024xf32, #tpu.memory_space<vmem>>, %arg3: memref<512x1024xf32, #tpu.memory_space<vmem>>, %arg4: memref<512x128xf32, #tpu.memory_space<vmem>>) attributes {dimension_semantics = [#tpu.dimension_semantics<arbitrary>], iteration_bounds = array<i64: 8>, scalar_prefetch = 0 : i64, scratch_operands = 0 : i64, tpu.core_type = #tpu.core_type<tc>, window_params = [{transform_indices = @transform_0, window_bounds = array<i64: 512, 1024>}, {transform_indices = @transform_1, window_bounds = array<i64: 512, 1024>}, {transform_indices = @transform_2, window_bounds = array<i64: 512, 1024>}, {transform_indices = @transform_3, window_bounds = array<i64: 512, 128>}]} {
    %get3A = arith.constant 0 : index
    %get3A_0 = arith.constant 0 : index
    %get3A_1 = vector.load %arg1[%get3A, %get3A_0] : memref<512x1024xf32, #tpu.memory_space<vmem>>, vector<512x1024xf32>
    %get3A_2 = arith.constant 0 : index
    %get3A_3 = arith.constant 0 : index
    %get3A_4 = vector.load %arg2[%get3A_2, %get3A_3] : memref<512x1024xf32, #tpu.memory_space<vmem>>, vector<512x1024xf32>
    %sub3A = arith.subf %get3A_1, %get3A_4 : vector<512x1024xf32>
    %swap3A = arith.constant 0 : index
    %swap3A_5 = arith.constant 0 : index
    %swap3A_6 = vector.load %arg3[%swap3A, %swap3A_5] : memref<512x1024xf32, #tpu.memory_space<vmem>>, vector<512x1024xf32>
    tpu.vector_store %arg3[%swap3A, %swap3A_5], %sub3A {strides = array<i32>} : memref<512x1024xf32, #tpu.memory_space<vmem>>, vector<512x1024xf32>,
    %mul3A = arith.mulf %sub3A, %sub3A : vector<512x1024xf32>
    %reduce_sum3A = arith.constant dense<0.000000e+00> : vector<512xf32>
    %reduce_sum3A_7 = vector.multi_reduction <add>, %mul3A, %reduce_sum3A [1] : vector<512x1024xf32> to vector<512xf32>
    %broadcast_in_dim3A = vector.shape_cast %reduce_sum3A_7 : vector<512xf32> to vector<512x1xf32>
    %max3A = arith.constant 0.000000e+00 : f32
    %max3A_8 = vector.broadcast %max3A : f32 to vector<512x1xf32>
    %max3A_9 = arith.maximumf %broadcast_in_dim3A, %max3A_8 : vector<512x1xf32>
    %sqrt3A = math.sqrt %max3A_9 : vector<512x1xf32>
    %add3A = arith.constant 9.99999968E-21 : f32
    %add3A_10 = vector.broadcast %add3A : f32 to vector<512x1xf32>
    %add3A_11 = arith.addf %sqrt3A, %add3A_10 : vector<512x1xf32>
    %mul3A_12 = arith.constant 1.000000e+00 : f32
    %mul3A_13 = vector.broadcast %mul3A_12 : f32 to vector<512x1xf32>
    %mul3A_14 = arith.mulf %mul3A_13, %add3A_11 : vector<512x1xf32>
    %exp3A = math.exp %mul3A_14 : vector<512x1xf32>
    %mul3A_15 = arith.constant -1.000000e+00 : f32
    %mul3A_16 = vector.broadcast %mul3A_15 : f32 to vector<512x1xf32>
    %mul3A_17 = arith.mulf %mul3A_16, %add3A_11 : vector<512x1xf32>
    %exp3A_18 = math.exp %mul3A_17 : vector<512x1xf32>
    %add3A_19 = arith.addf %exp3A, %exp3A_18 : vector<512x1xf32>
    %sub3A_20 = arith.constant -1.000000e+00 : f32
    %sub3A_21 = vector.broadcast %sub3A_20 : f32 to vector<512x1xf32>
    %sub3A_22 = arith.subf %add3A_19, %sub3A_21 : vector<512x1xf32>
    %mul3A_23 = arith.constant 1.000000e+00 : f32
    %mul3A_24 = vector.broadcast %mul3A_23 : f32 to vector<512x1xf32>
    %mul3A_25 = arith.mulf %mul3A_24, %sub3A_22 : vector<512x1xf32>
    %broadcast_in_dim3A_26 = vector.shape_cast %mul3A_25 : vector<512x1xf32> to vector<512x1xf32>
    %broadcast_in_dim3A_27 = vector.broadcast %broadcast_in_dim3A_26 : vector<512x1xf32> to vector<512x128xf32>
    %swap3A_28 = arith.constant 0 : index
    %swap3A_29 = arith.constant 0 : index
    %swap3A_30 = vector.load %arg4[%swap3A_28, %swap3A_29] : memref<512x128xf32, #tpu.memory_space<vmem>>, vector<512x128xf32>
    tpu.vector_store %arg4[%swap3A_28, %swap3A_29], %broadcast_in_dim3A_27 {strides = array<i32>} : memref<512x128xf32, #tpu.memory_space<vmem>>, vector<512x128xf32>,
    return
  }
  func.func @transform_0(%arg0: i32) -> (i32, i32) {
    %c0_i32 = arith.constant 0 : i32
    %c0_i32_0 = arith.constant 0 : i32
    return %arg0, %c0_i32 : i32, i32
  }
  func.func @transform_1(%arg0: i32) -> (i32, i32) {
    %c0_i32 = arith.constant 0 : i32
    %c0_i32_0 = arith.constant 0 : i32
    return %arg0, %c0_i32 : i32, i32
  }
  func.func @transform_2(%arg0: i32) -> (i32, i32) {
    %c0_i32 = arith.constant 0 : i32
    %c0_i32_0 = arith.constant 0 : i32
    return %arg0, %c0_i32 : i32, i32
  }
  func.func @transform_3(%arg0: i32) -> (i32, i32) {
    %c0_i32 = arith.constant 0 : i32
    %c0_i32_0 = arith.constant 0 : i32
    return %arg0, %c0_i32 : i32, i32
  }
}

</mosaic_0001>

<sc_bundles>
// kernel: kernel.5.cloned.1.call-start
scs
__scs_entry_jumppad:
0x0: {  	(pc) =	sbr.rel $0x88, $3  }
0x1: {  	(tag) =	ssettag $0x0;
	lr =	simm.s32 $0x1  }
0x2: {  	[smem:$0x3F9F] =	sst lr;
	_ =	strace $0xD0000000  }
0x3: {  	_ = 	snop  }
0x4: {  	_ = 	snop  }
0x5: {  	_ = 	snop  }
0x6: {  	_ = 	snop  }
0x7: {  	_ = 	snop  }
__scs_overlays_trampoline_lowered:
0x8: {  	[smem:$0x3FAE] =	sst s0  }
0x9: {  	[smem:$0x3FAF] =	sst s1  }
0xa: {  	[smem:$0x3FB0] =	sst s2  }
0xb: {  	[smem:$0x3FB1] =	sst s3  }
0xc: {  	[smem:$0x3FB2] =	sst s4  }
0xd: {  	[smem:$0x3FB3] =	sst s5  }
0xe: {  	[smem:$0x3FB4] =	sst s6  }
0xf: {  	[smem:$0x3FB5] =	sst s7  }
0x10: {  	[smem:$0x3FB6] =	sst s8  }
0x11: {  	[smem:$0x3FB7] =	sst s9;
	s0 =	simm.s32 @!p0 $0x0  }
0x12: {  	s1 =	sld [smem:$0x3F9D];
	s0 =	simm.s32 @p0 $0x1  }
0x13: {  	[smem:$0x3FB8] =	sst s0;
	s0 =	simm.s32 @!p1 $0x0  }
0x14: {  	s2 =	sld [smem:$0x3F9C];
	s0 =	simm.s32 @p1 $0x1  }
0x15: {  	[smem:$0x3FB9] =	sst s0;
	s0 =	simm.s32 @!p2 $0x0  }
0x16: {  	s3 =	sld [smem:$0x3FDB];
	s0 =	simm.s32 @p2 $0x1  }
0x17: {  	s4 =	simm.s32 $0x1BF5;
	[smem:$0x3FBB] =	sst s0  }
0x18: {  	s0 =	sld [smem:$0x3F9E];
	_ =	swait.ge [sflag:s4], $0x0  }
0x19: {  	s7 =	sld [smem:$0x3F9F]  }
0x1a: {  	s8 =	sadd.s32 $0xFFFFE003, lr  }
0x1b: {  	s9 =	sadd.s32 $0xFFFFFEF7, lr;
	s5 =	simm.s32 $0xFFFFFFFF;
	p2 =	slt.u32 s8, $0xFFFFF086  }
0x1c: {  	p1 =	slt.u32 s9, $0xF7A;
	s5 =	simm.s32 @!p2 $0x0  }
0x1d: {  	s5 =	simm.s32 @p1 $0x1;
	p0 =	seq.s32 s7, s2  }
0x1e: {  	s7 =	smul.u32 @!p0 $0xF7A, s2;
	p2 =	seq.s32 @!p0 s5, $0x0  }
0x1f: {  	s9 =	smul.u32 $0xF7A, s1;
	s8 =	simm.s32 @!p0 $0x1BF5;
	p2 =	por !p2, p0  }
0x20: {  	[sflag:s8] =	ssyncset.s32 @!p0 $0xFFFFF086;
	s6 =	sadd.s32 @!p0 s3, s7;
	s7 =	simm.s32 @!p0 $0x108  }
0x21: {  	s3 =	sadd.s32 s3, s9;
	s6 =	sadd.s32 @!p0 $0x88, s6;
	s7 =	simm.s32 @p2 $0x1082  }
0x22: {  	[simem:s7], [sflag:s8] =	dma.local @!p0 [hbm:s6], $0xF7A  }
0x23: {  	s9 =	sor.u32 $0xD0000000, s2;
	s6 =	simm.s32 $0x108;
	_ =	swait.ge @!p0 [sflag:s8], $0x0  }
0x24: {  	s3 =	sadd.s32 $0x88, s3;
	s6 =	simm.s32 @!p1 $0x1082;
	[sflag:s4] =	ssyncset.s32 $0xFFFFF086  }
0x25: {  	[simem:s6], [sflag:s4] =	dma.local [hbm:s3], $0xF7A  }
0x26: {  	[smem:$0x3F9F] =	sst s1;
	(tag) =	ssettag s2;
	_ =	strace s9  }
0x27: {  	s1 =	sld [smem:$0x3FAF]  }
0x28: {  	s2 =	sld [smem:$0x3FB0]  }
0x29: {  	s4 =	sld [smem:$0x3FB2]  }
0x2a: {  	p0 =	seq.s32 s5, $0x0;
	s5 =	sld [smem:$0x3FB3]  }
0x2b: {  	s6 =	sld [smem:$0x3FB4]  }
0x2c: {  	s7 =	sld [smem:$0x3FB5]  }
0x2d: {  	s3 =	simm.s32 $0x108;
	s8 =	sld [smem:$0x3FB6]  }
0x2e: {  	s3 =	simm.s32 @!p0 $0x1082;
	s9 =	sld [smem:$0x3FB7]  }
0x2f: {  	lr =	sadd.s32 s0, s3;
	s0 =	sld [smem:$0x3FAE]  }
0x30: {  	s3 =	sld [smem:$0x3FB1]  }
0x31: {  	[smem:$0x3FBA] =	sst s10  }
0x32: {  	s10 =	sld [smem:$0x3FB8];
	_ =	sdelay $0x3  }
0x33: {  	p0 =	seq.s32 s10, $0x1;
	s10 =	sld [smem:$0x3FBA];
	_ =	sdelay $0x3  }
0x34: {  	[smem:$0x3FBA] =	sst s10  }
0x35: {  	s10 =	sld [smem:$0x3FB9];
	_ =	sdelay $0x3  }
0x36: {  	p1 =	seq.s32 s10, $0x1;
	s10 =	sld [smem:$0x3FBA];
	_ =	sdelay $0x3  }
0x37: {  	[smem:$0x3FBA] =	sst s10  }
0x38: {  	s10 =	sld [smem:$0x3FBB]  }
0x39: {  	_ = 	snop;
	(pc) =	sbr.ind lr, $3  }
0x3a: {  	_ = 	snop  }
0x3b: {  	_ = 	snop  }
0x3c: {  	p2 =	seq.s32 s10, $0x1;
	s10 =	sld [smem:$0x3FBA]  }
0x3d: {  	_ =	shalt  }
0x3e: {  	_ =	shalt  }
0x3f: {  	_ =	shalt  }
0x40: {  	_ =	shalt  }
0x41: {  	_ =	shalt  }
0x42: {  	_ =	shalt  }
0x43: {  	_ =	shalt  }
0x44: {  	_ =	shalt  }
0x45: {  	_ =	shalt  }
0x46: {  	_ =	shalt  }
0x47: {  	_ =	shalt  }
0x48: {  	_ =	shalt  }
0x49: {  	_ =	shalt  }
0x4a: {  	_ =	shalt  }
0x4b: {  	_ =	shalt  }
0x4c: {  	_ =	shalt  }
0x4d: {  	_ =	shalt  }
0x4e: {  	_ =	shalt  }
0x4f: {  	_ =	shalt  }
0x50: {  	_ =	shalt  }
0x51: {  	_ =	shalt  }
0x52: {  	_ =	shalt  }
0x53: {  	_ =	shalt  }
0x54: {  	_ =	shalt  }
0x55: {  	_ =	shalt  }
0x56: {  	_ =	shalt  }
0x57: {  	_ =	shalt  }
0x58: {  	_ =	shalt  }
0x59: {  	_ =	shalt  }
0x5a: {  	_ =	shalt  }
0x5b: {  	_ =	shalt  }
0x5c: {  	_ =	shalt  }
0x5d: {  	_ =	shalt  }
0x5e: {  	_ =	shalt  }
0x5f: {  	_ =	shalt  }
0x60: {  	_ =	shalt  }
0x61: {  	_ =	shalt  }
0x62: {  	_ =	shalt  }
0x63: {  	_ =	shalt  }
0x64: {  	_ =	shalt  }
0x65: {  	_ =	shalt  }
0x66: {  	_ =	shalt  }
0x67: {  	_ =	shalt  }
0x68: {  	_ =	shalt  }
0x69: {  	_ =	shalt  }
0x6a: {  	_ =	shalt  }
0x6b: {  	_ =	shalt  }
0x6c: {  	_ =	shalt  }
0x6d: {  	_ =	shalt  }
0x6e: {  	_ =	shalt  }
0x6f: {  	_ =	shalt  }
0x70: {  	_ =	shalt  }
0x71: {  	_ =	shalt  }
0x72: {  	_ =	shalt  }
0x73: {  	_ =	shalt  }
0x74: {  	_ =	shalt  }
0x75: {  	_ =	shalt  }
0x76: {  	_ =	shalt  }
0x77: {  	_ =	shalt  }
0x78: {  	_ =	shalt  }
0x79: {  	_ =	shalt  }
0x7a: {  	_ =	shalt  }
0x7b: {  	_ =	shalt  }
0x7c: {  	_ =	shalt  }
0x7d: {  	_ =	shalt  }
0x7e: {  	_ =	shalt  }
0x7f: {  	_ =	shalt  }
0x80: {  	_ =	shalt  }
0x81: {  	_ =	shalt  }
0x82: {  	_ =	shalt  }
0x83: {  	_ =	shalt  }
0x84: {  	_ =	shalt  }
0x85: {  	_ =	shalt  }
0x86: {  	_ =	shalt  }
0x87: {  	_ =	shalt  }
.Lfunc_end0:
.L_simem_size_0:
called_computation_lowered:
.L_overlay_start_0:
0x88: {  	s2 =	sld [smem:$0x3FD9]  }
0x89: {  	s3 =	sld [smem:$0x3FFE];
	_ =	sdelay $0x1  }
0x8a: {  	s1 =	srdreg.scid  }
0x8b: {  	s0 =	sand.u32 $0x1, s1  }
0x8c: {  	s15 =	sshll.u32 s0, $0xA;
	s2 =	sadd.s32 s3, s2  }
0x8d: {  	s2 =	sadd.s32 s2, s15  }
0x8e: {  	[smem:$0x3FC6] =	sst s2  }
0x8f: {  	_ = 	snop  }
0x90: {  	s2 =	sld [smem:$0x3FD0];
	_ =	sdelay $0x2  }
0x91: {  	s4 =	simm.s32 $0xA;
	s5 =	simm.s32 $0x10;
	s16 =	sld [smem:$0x3FC8]  }
0x92: {  	[smem:s5], [sflag:s4] =	dma.local [hbm:s2], $0x1  }
0x93: {  	_ =	swait.eq [sflag:s4], $0x1  }
0x94: {  	[sflag:s4] =	ssyncset.done $0x0  }
0x95: {  	s17 =	sld [smem:$0x10];
	[sflag:s4] =	ssyncadd.s32 $0xFFFFFFFF  }
0x96: {  	s18 =	sld [smem:$0x12];
	(tm) =	ssettm $0x1  }
0x97: {  	s19 =	sld [smem:$0x3FFB];
	_ =	sdelay $0x3  }
0x98: {  	_ =	strace s19  }
0x99: {  	s5 =	sld [smem:$0x3FFC];
	_ =	sdelay $0x3  }
0x9a: {  	_ =	strace s5  }
0x9b: {  	s5 =	sld [smem:$0x3FFD];
	_ =	sdelay $0x3  }
0x9c: {  	_ =	strace s5  }
0x9d: {  	_ =	strace $0x8FFFFFFF  }
0x9e: {  	s20 =	sld [smem:$0x3FDB];
	_ =	sdelay $0x1  }
0x9f: {  	s6 =	simm.s32 $_scs_section_size  }
0xa0: {  	s7 =	simm.s32 $_size__tile_overlayer_lowered;
	s8 =	simm.s32 $_tile_overlayer_lowered  }
0xa1: {  	s23 =	simm.s32 $0x1BFF;
	s22 =	sshll.u32 s8, $0x1;
	s5 =	sadd.s32 s6, s20  }
0xa2: {  	s9 =	simm.s32 $0x0;
	s21 =	sshll.u32 s7, $0x1;
	s7 =	sadd.s32 s22, s5  }
0xa3: {  	[timem:s9], [sflag:s23] =	dma.local [hbm:s7], s21  }
0xa4: {  	_ =	swait.ge [sflag:s23], s21  }
0xa5: {  	s6 =	ssub.s32 $0x0, s21;
	[sflag:s23] =	ssyncset.done $0x0  }
0xa6: {  	[sflag:s23] =	ssyncadd.s32 s6;
	_ =	sdelay $0x1  }
0xa7: {  	s24 =	simm.s32 $0x1B8B  }
0xa8: {  	_ =	swait.ge [sflag:s24], $0x1  }
0xa9: {  	[sflag:s24] =	ssyncset.done $0x0  }
0xaa: {  	s25 =	simm.s32 $0x1B8E;
	[sflag:s24] =	ssyncadd.s32 $0xFFFFFFFF  }
0xab: {  	s26 =	simm.s32 $execute0_lowered;
	[smem:$0x3FD2] =	sst s25  }
0xac: {  	s6 =	sshll.u32 s26, $0x1;
	_ =	strace $0x80000046;
	[dreg:$0x1] =	wrdreg $0xFFFFFFFF  }
0xad: {  	s28 =	simm.s32 $_size_execute0_lowered;
	s5 =	sadd.s32 s5, s6;
	[dreg:$0x0] =	wrdreg $0x0  }
0xae: {  	s6 =	sshll.u32 s28, $0x1;
	[dreg:$0x2] =	wrdreg s5  }
0xaf: {  	[dreg:$0x3] =	wrdreg s6  }
0xb0: {  	[dreg:$0x4] =	wrdreg $0xC0  }
0xb1: {  	_ =	task [dreg:s9], $0x5FFFF  }
0xb2: {  	[dreg:$0x1] =	wrdreg $0xFFFFFFFF  }
0xb3: {  	[dreg:$0x0] =	wrdreg $0x60  }
0xb4: {  	[dreg:$0x2] =	wrdreg s16  }
0xb5: {  	[dreg:$0x3] =	wrdreg s18  }
0xb6: {  	[dreg:$0x4] =	wrdreg s17  }
0xb7: {  	[dreg:$0x5] =	wrdreg $0x9  }
0xb8: {  	_ =	task.clear_ibuf [dreg:s9], $0x6FFFF;
	_ =	strace $0x90000046  }
0xb9: {  	s29 =	simm.s32 $0x9;
	_ =	strace $0x80000048  }
0xba: {  	_ =	swait.ge [sflag:s29], $0x1  }
0xbb: {  	[sflag:s29] =	ssyncadd.s32 $0xFFFFFFFF  }
0xbc: {  	_ =	strace $0x90000048  }
0xbd: {  	_ =	sfence  }
0xbe: {  	s30 =	sld [smem:$0x0];
	_ =	sdelay $0x2  }
0xbf: {  	s31 =	sshll.u32 s1, $0xD;
	s1 =	sshrl.u32 s1, $0x2  }
0xc0: {  	s3 =	sand.u32 $0x4000, s31;
	s1 =	sadd.s32 s1, s30  }
0xc1: {  	s0 =	sor.u32 s3, s0;
	s1 =	sshll.u32 s1, $0x11  }
0xc2: {  	s0 =	sor.u32 s1, s0  }
0xc3: {  	s0 =	sadd.s32 $0x8F2B, s0  }
0xc4: {  	[sflag:s0] =	ssyncadd.remote.s32 $0x1  }
0xc5: {  	_ =	sfence.sel $0xFFFF  }
0xc6: {  	[dreg:$0x0] =	wrdreg $0xFFFFFFFF;
	(pc) =	sbr.abs _section_cstart, $3  }
0xc7: {  	[dreg:$0x1] =	wrdreg $0xFFFFFFFF  }
0xc8: {  	_ =	task.clear_ibuf [dreg:s9], $0x2FFFF;
	_ =	strace $0x9FFFFFFF  }
0xc9: {  	(tm) =	ssettm $0x7FFFFFFF  }
tec
execute0_lowered:
.L_overlay_start_1:
0x0: {  	(tag) =	ssettag $0x1  }
0x1: {  	s1 =	rddreg [dreg:$0x0]  }
0x2: {  	s4 =	rddreg [dreg:$0x1]  }
0x3: {  	s6 =	rddreg [dreg:$0x2]  }
0x4: {  	s0 =	rddreg [dreg:$0x3];
	s3 =	simm.s32 $0x0;
	s5 =	srdreg.scid  }
0x5: {  	s2 =	stileid.u32;
	s13 =	simm.s32 $0x2;
	s14 =	simm.s32 $0x80  }
0x6: {  	s15 =	simm.s32 $0x880;
	s16 =	simm.s32 $0x1080;
	s17 =	simm.s32 $0x1880  }
0x7: {  	s18 =	simm.s32 $0x2080;
	s19 =	simm.s32 $0x2880;
	s20 =	simm.s32 $0x3080  }
0x8: {  	s21 =	simm.s32 $0x3880;
	s22 =	simm.s32 $0x4080;
	s23 =	simm.s32 $0x4880  }
0x9: {  	s24 =	simm.s32 $0x5080;
	s25 =	simm.s32 $0x5880;
	s28 =	simm.s32 $0x6880  }
0xa: {  	s29 =	simm.s32 $0x7080;
	s30 =	simm.s32 $0x7880;
	s5 =	sand.u32 $0x1, s5  }
0xb: {  	s31 =	simm.s32 $0x1;
	[smem:$0x7FF] =	sst s3;
	s7 =	ssub.s32 $0x2, s5  }
0xc: {  	s8 =	sshll.u32 s2, $0x8;
	s5 =	sshll.u32 s5, $0x7;
	s9 =	sshrl.u32 s7, $0x1  }
0xd: {  	_ =	strace $0x80000047;
	s5 =	sor.u32 s5, s8;
	s12 =	ssub.s32 s7, s9  }
0xe: {  	s26 =	sshrl.u32 s5, $0x3;
	s8 =	sshll.u32 s5, $0x7;
	s5 =	sadd.s32 $0x100, s1  }
0xf: {  	v2 =	vlaneseq.u32;
	s7 =	sadd.s32 $0x200, s1;
	s4 =	sadd.s32 s4, s26;
	s6 =	sadd.s32 s6, s8  }
0x10: {  	vm0 =	vmmov $0xffff;
	v1 =	vshrl.u32 v2, $0x3;
	s8 =	sadd.s32 $0x300, s1;
	s12 =	smax.u32 s12, $0x1;
	s26 =	simm.s32 $0x6080  }
0x11: {  	v0 =	vand.u32 $0x7, v2;
	v2 =	vor.u32 $0x8, v2;
	v1 =	vmul.u32 $0x8, v1;
	s9 =	sadd.s32 $0x1000, s6;
	s10 =	sadd.s32 $0x2000, s6;
	s11 =	sadd.s32 $0x3000, s6  }
.LBB2_1:
0x12: {  	[tilespmem:s3], [sflag:$0x2] =	stream.linear.gather [hbm4b:s4+s3], $0x80, $0x38;
	[tilespmem:$0x8080] =	vst v63  }
0x13: {  	_ =	swait.ge [sflag:s13], $0x80  }
0x14: {  	[sflag:s13] =	ssyncset.done $0x0  }
0x15: {  	[sflag:s13] =	ssyncadd.s32 $0xFFFFFF80  }
0x16: {  	v3 =	vld [tilespmem:$0x0];
	_ =	sdelay $0x4  }
0x17: {  	v4 =	vshll.u32 v3, $0x3  }
0x18: {  	v3 =	vand.u32 $0x7, v3;
	v4 =	vand.u32 $0xFFFFFFC0, v4  }
0x19: {  	v3 =	vor.u32 v3, v4  }
0x1a: {  	v4 =	vperm.xlane v3, v0;
	_ =	sdelay $0x1  }
0x1b: {  	v4 =	vadd.s32 v1, v4;
	_ =	sdelay $0x4  }
0x1c: {  	[tilespmem:s14], [sflag:$0x1] =	stream.indirect_vreg.gather [hbm4b:s1+s3], $0x80, v4, vm0, $0xb8;
	[tilespmem:$0x8080] =	vst v63  }
0x1d: {  	v3 =	vperm.xlane v3, v2  }
0x1e: {  	[tilespmem:s15], [sflag:$0x1] =	stream.indirect_vreg.gather [hbm4b:s5+s3], $0x80, v4, vm0, $0xb8;
	[tilespmem:$0x8080] =	vst v63  }
0x1f: {  	v3 =	vadd.s32 v1, v3  }
0x20: {  	[tilespmem:s16], [sflag:$0x1] =	stream.indirect_vreg.gather [hbm4b:s7+s3], $0x80, v4, vm0, $0xb8;
	[tilespmem:$0x8080] =	vst v63  }
0x21: {  	_ = 	snop  }
0x22: {  	[tilespmem:s17], [sflag:$0x1] =	stream.indirect_vreg.gather [hbm4b:s8+s3], $0x80, v4, vm0, $0xb8;
	[tilespmem:$0x8080] =	vst v63  }
0x23: {  	_ = 	snop  }
0x24: {  	[tilespmem:s18], [sflag:$0x1] =	stream.indirect_vreg.gather [hbm4b:s1+s3], $0x80, v3, vm0, $0xb8;
	[tilespmem:$0x8080] =	vst v63  }
0x25: {  	_ = 	snop  }
0x26: {  	[tilespmem:s19], [sflag:$0x1] =	stream.indirect_vreg.gather [hbm4b:s5+s3], $0x80, v3, vm0, $0xb8;
	[tilespmem:$0x8080] =	vst v63  }
0x27: {  	_ = 	snop  }
0x28: {  	[tilespmem:s20], [sflag:$0x1] =	stream.indirect_vreg.gather [hbm4b:s7+s3], $0x80, v3, vm0, $0xb8;
	[tilespmem:$0x8080] =	vst v63  }
0x29: {  	_ = 	snop  }
0x2a: {  	[tilespmem:s21], [sflag:$0x1] =	stream.indirect_vreg.gather [hbm4b:s8+s3], $0x80, v3, vm0, $0xb8;
	[tilespmem:$0x8080] =	vst v63  }
0x2b: {  	v3 =	vld [tilespmem:$0x10];
	_ =	sdelay $0x4  }
0x2c: {  	v57 =	vshll.u32 v3, $0x3  }
0x2d: {  	v3 =	vand.u32 $0x7, v3;
	v4 =	vand.u32 $0xFFFFFFC0, v57  }
0x2e: {  	v3 =	vor.u32 v3, v4  }
0x2f: {  	v4 =	vperm.xlane v3, v0;
	_ =	sdelay $0x1  }
0x30: {  	v4 =	vadd.s32 v1, v4;
	_ =	sdelay $0x4  }
0x31: {  	[tilespmem:s22], [sflag:$0x1] =	stream.indirect_vreg.gather [hbm4b:s1+s3], $0x80, v4, vm0, $0xb8;
	[tilespmem:$0x8080] =	vst v63  }
0x32: {  	v3 =	vperm.xlane v3, v2  }
0x33: {  	[tilespmem:s23], [sflag:$0x1] =	stream.indirect_vreg.gather [hbm4b:s5+s3], $0x80, v4, vm0, $0xb8;
	[tilespmem:$0x8080] =	vst v63  }
0x34: {  	v3 =	vadd.s32 v1, v3  }
0x35: {  	[tilespmem:s24], [sflag:$0x1] =	stream.indirect_vreg.gather [hbm4b:s7+s3], $0x80, v4, vm0, $0xb8;
	[tilespmem:$0x8080] =	vst v63  }
0x36: {  	_ = 	snop  }
0x37: {  	[tilespmem:s25], [sflag:$0x1] =	stream.indirect_vreg.gather [hbm4b:s8+s3], $0x80, v4, vm0, $0xb8;
	[tilespmem:$0x8080] =	vst v63  }
0x38: {  	_ = 	snop  }
0x39: {  	[tilespmem:s26], [sflag:$0x1] =	stream.indirect_vreg.gather [hbm4b:s1+s3], $0x80, v3, vm0, $0xb8;
	[tilespmem:$0x8080] =	vst v63  }
0x3a: {  	_ = 	snop  }
0x3b: {  	[tilespmem:s28], [sflag:$0x1] =	stream.indirect_vreg.gather [hbm4b:s5+s3], $0x80, v3, vm0, $0xb8;
	[tilespmem:$0x8080] =	vst v63  }
0x3c: {  	_ = 	snop  }
0x3d: {  	[tilespmem:s29], [sflag:$0x1] =	stream.indirect_vreg.gather [hbm4b:s7+s3], $0x80, v3, vm0, $0xb8;
	[tilespmem:$0x8080] =	vst v63  }
0x3e: {  	_ = 	snop  }
0x3f: {  	[tilespmem:s30], [sflag:$0x1] =	stream.indirect_vreg.gather [hbm4b:s8+s3], $0x80, v3, vm0, $0xb8;
	[tilespmem:$0x8080] =	vst v63  }
0x40: {  	_ =	swait.ge [sflag:s31], $0x8000  }
0x41: {  	[sflag:s31] =	ssyncset.done $0x0  }
0x42: {  	[sflag:s31] =	ssyncadd.s32 $0xFFFF8000  }
0x43: {  	[hbm4b:s6+s3] =	stream.linear.scatter [tilespmem:s14], [sflag:$0x2], $0x8000, $0x38;
	[tilespmem:$0x8080] =	vst v63  }
0x44: {  	_ =	swait.ge [sflag:s13], $0x8000  }
0x45: {  	[sflag:s13] =	ssyncset.done $0x0  }
0x46: {  	[sflag:s13] =	ssyncadd.s32 $0xFFFF8000  }
0x47: {  	v3 =	vld [tilespmem:$0x20];
	_ =	sdelay $0x4  }
0x48: {  	v58 =	vshll.u32 v3, $0x3  }
0x49: {  	v3 =	vand.u32 $0x7, v3;
	v4 =	vand.u32 $0xFFFFFFC0, v58  }
0x4a: {  	v3 =	vor.u32 v3, v4  }
0x4b: {  	v4 =	vperm.xlane v3, v0;
	_ =	sdelay $0x1  }
0x4c: {  	v4 =	vadd.s32 v1, v4;
	_ =	sdelay $0x4  }
0x4d: {  	[tilespmem:s14], [sflag:$0x1] =	stream.indirect_vreg.gather [hbm4b:s1+s3], $0x80, v4, vm0, $0xb8;
	[tilespmem:$0x8080] =	vst v63  }
0x4e: {  	v3 =	vperm.xlane v3, v2  }
0x4f: {  	[tilespmem:s15], [sflag:$0x1] =	stream.indirect_vreg.gather [hbm4b:s5+s3], $0x80, v4, vm0, $0xb8;
	[tilespmem:$0x8080] =	vst v63  }
0x50: {  	v3 =	vadd.s32 v1, v3  }
0x51: {  	[tilespmem:s16], [sflag:$0x1] =	stream.indirect_vreg.gather [hbm4b:s7+s3], $0x80, v4, vm0, $0xb8;
	[tilespmem:$0x8080] =	vst v63  }
0x52: {  	_ = 	snop  }
0x53: {  	[tilespmem:s17], [sflag:$0x1] =	stream.indirect_vreg.gather [hbm4b:s8+s3], $0x80, v4, vm0, $0xb8;
	[tilespmem:$0x8080] =	vst v63  }
0x54: {  	_ = 	snop  }
0x55: {  	[tilespmem:s18], [sflag:$0x1] =	stream.indirect_vreg.gather [hbm4b:s1+s3], $0x80, v3, vm0, $0xb8;
	[tilespmem:$0x8080] =	vst v63  }
0x56: {  	_ = 	snop  }
0x57: {  	[tilespmem:s19], [sflag:$0x1] =	stream.indirect_vreg.gather [hbm4b:s5+s3], $0x80, v3, vm0, $0xb8;
	[tilespmem:$0x8080] =	vst v63  }
0x58: {  	_ = 	snop  }
0x59: {  	[tilespmem:s20], [sflag:$0x1] =	stream.indirect_vreg.gather [hbm4b:s7+s3], $0x80, v3, vm0, $0xb8;
	[tilespmem:$0x8080] =	vst v63  }
0x5a: {  	_ = 	snop  }
0x5b: {  	[tilespmem:s21], [sflag:$0x1] =	stream.indirect_vreg.gather [hbm4b:s8+s3], $0x80, v3, vm0, $0xb8;
	[tilespmem:$0x8080] =	vst v63  }
0x5c: {  	v3 =	vld [tilespmem:$0x30];
	_ =	sdelay $0x4  }
0x5d: {  	v59 =	vshll.u32 v3, $0x3  }
0x5e: {  	v3 =	vand.u32 $0x7, v3;
	v4 =	vand.u32 $0xFFFFFFC0, v59  }
0x5f: {  	v3 =	vor.u32 v3, v4  }
0x60: {  	v4 =	vperm.xlane v3, v0;
	_ =	sdelay $0x1  }
0x61: {  	v4 =	vadd.s32 v1, v4;
	_ =	sdelay $0x4  }
0x62: {  	[tilespmem:s22], [sflag:$0x1] =	stream.indirect_vreg.gather [hbm4b:s1+s3], $0x80, v4, vm0, $0xb8;
	[tilespmem:$0x8080] =	vst v63  }
0x63: {  	v3 =	vperm.xlane v3, v2  }
0x64: {  	[tilespmem:s23], [sflag:$0x1] =	stream.indirect_vreg.gather [hbm4b:s5+s3], $0x80, v4, vm0, $0xb8;
	[tilespmem:$0x8080] =	vst v63  }
0x65: {  	v3 =	vadd.s32 v1, v3  }
0x66: {  	[tilespmem:s24], [sflag:$0x1] =	stream.indirect_vreg.gather [hbm4b:s7+s3], $0x80, v4, vm0, $0xb8;
	[tilespmem:$0x8080] =	vst v63  }
0x67: {  	_ = 	snop  }
0x68: {  	[tilespmem:s25], [sflag:$0x1] =	stream.indirect_vreg.gather [hbm4b:s8+s3], $0x80, v4, vm0, $0xb8;
	[tilespmem:$0x8080] =	vst v63  }
0x69: {  	_ = 	snop  }
0x6a: {  	[tilespmem:s26], [sflag:$0x1] =	stream.indirect_vreg.gather [hbm4b:s1+s3], $0x80, v3, vm0, $0xb8;
	[tilespmem:$0x8080] =	vst v63  }
0x6b: {  	_ = 	snop  }
0x6c: {  	[tilespmem:s28], [sflag:$0x1] =	stream.indirect_vreg.gather [hbm4b:s5+s3], $0x80, v3, vm0, $0xb8;
	[tilespmem:$0x8080] =	vst v63  }
0x6d: {  	_ = 	snop  }
0x6e: {  	[tilespmem:s29], [sflag:$0x1] =	stream.indirect_vreg.gather [hbm4b:s7+s3], $0x80, v3, vm0, $0xb8;
	[tilespmem:$0x8080] =	vst v63  }
0x6f: {  	_ = 	snop  }
0x70: {  	[tilespmem:s30], [sflag:$0x1] =	stream.indirect_vreg.gather [hbm4b:s8+s3], $0x80, v3, vm0, $0xb8;
	[tilespmem:$0x8080] =	vst v63  }
0x71: {  	_ =	swait.ge [sflag:s31], $0x8000  }
0x72: {  	[sflag:s31] =	ssyncset.done $0x0  }
0x73: {  	[sflag:s31] =	ssyncadd.s32 $0xFFFF8000  }
0x74: {  	[hbm4b:s9+s3] =	stream.linear.scatter [tilespmem:s14], [sflag:$0x2], $0x8000, $0x38;
	[tilespmem:$0x8080] =	vst v63  }
0x75: {  	_ =	swait.ge [sflag:s13], $0x8000  }
0x76: {  	[sflag:s13] =	ssyncset.done $0x0  }
0x77: {  	[sflag:s13] =	ssyncadd.s32 $0xFFFF8000  }
0x78: {  	v3 =	vld [tilespmem:$0x40];
	_ =	sdelay $0x4  }
0x79: {  	v60 =	vshll.u32 v3, $0x3  }
0x7a: {  	v3 =	vand.u32 $0x7, v3;
	v4 =	vand.u32 $0xFFFFFFC0, v60  }
0x7b: {  	v3 =	vor.u32 v3, v4  }
0x7c: {  	v4 =	vperm.xlane v3, v0;
	_ =	sdelay $0x1  }
0x7d: {  	v4 =	vadd.s32 v1, v4;
	_ =	sdelay $0x4  }
0x7e: {  	[tilespmem:s14], [sflag:$0x1] =	stream.indirect_vreg.gather [hbm4b:s1+s3], $0x80, v4, vm0, $0xb8;
	[tilespmem:$0x8080] =	vst v63  }
0x7f: {  	v3 =	vperm.xlane v3, v2  }
0x80: {  	[tilespmem:s15], [sflag:$0x1] =	stream.indirect_vreg.gather [hbm4b:s5+s3], $0x80, v4, vm0, $0xb8;
	[tilespmem:$0x8080] =	vst v63  }
0x81: {  	v3 =	vadd.s32 v1, v3  }
0x82: {  	[tilespmem:s16], [sflag:$0x1] =	stream.indirect_vreg.gather [hbm4b:s7+s3], $0x80, v4, vm0, $0xb8;
	[tilespmem:$0x8080] =	vst v63  }
0x83: {  	_ = 	snop  }
0x84: {  	[tilespmem:s17], [sflag:$0x1] =	stream.indirect_vreg.gather [hbm4b:s8+s3], $0x80, v4, vm0, $0xb8;
	[tilespmem:$0x8080] =	vst v63  }
0x85: {  	_ = 	snop  }
0x86: {  	[tilespmem:s18], [sflag:$0x1] =	stream.indirect_vreg.gather [hbm4b:s1+s3], $0x80, v3, vm0, $0xb8;
	[tilespmem:$0x8080] =	vst v63  }
0x87: {  	_ = 	snop  }
0x88: {  	[tilespmem:s19], [sflag:$0x1] =	stream.indirect_vreg.gather [hbm4b:s5+s3], $0x80, v3, vm0, $0xb8;
	[tilespmem:$0x8080] =	vst v63  }
0x89: {  	_ = 	snop  }
0x8a: {  	[tilespmem:s20], [sflag:$0x1] =	stream.indirect_vreg.gather [hbm4b:s7+s3], $0x80, v3, vm0, $0xb8;
	[tilespmem:$0x8080] =	vst v63  }
0x8b: {  	_ = 	snop  }
0x8c: {  	[tilespmem:s21], [sflag:$0x1] =	stream.indirect_vreg.gather [hbm4b:s8+s3], $0x80, v3, vm0, $0xb8;
	[tilespmem:$0x8080] =	vst v63  }
0x8d: {  	v3 =	vld [tilespmem:$0x50];
	_ =	sdelay $0x4  }
0x8e: {  	v61 =	vshll.u32 v3, $0x3  }
0x8f: {  	v3 =	vand.u32 $0x7, v3;
	v4 =	vand.u32 $0xFFFFFFC0, v61  }
0x90: {  	v3 =	vor.u32 v3, v4  }
0x91: {  	v4 =	vperm.xlane v3, v0;
	_ =	sdelay $0x1  }
0x92: {  	v4 =	vadd.s32 v1, v4;
	_ =	sdelay $0x4  }
0x93: {  	[tilespmem:s22], [sflag:$0x1] =	stream.indirect_vreg.gather [hbm4b:s1+s3], $0x80, v4, vm0, $0xb8;
	[tilespmem:$0x8080] =	vst v63  }
0x94: {  	v3 =	vperm.xlane v3, v2  }
0x95: {  	[tilespmem:s23], [sflag:$0x1] =	stream.indirect_vreg.gather [hbm4b:s5+s3], $0x80, v4, vm0, $0xb8;
	[tilespmem:$0x8080] =	vst v63  }
0x96: {  	v3 =	vadd.s32 v1, v3  }
0x97: {  	[tilespmem:s24], [sflag:$0x1] =	stream.indirect_vreg.gather [hbm4b:s7+s3], $0x80, v4, vm0, $0xb8;
	[tilespmem:$0x8080] =	vst v63  }
0x98: {  	_ = 	snop  }
0x99: {  	[tilespmem:s25], [sflag:$0x1] =	stream.indirect_vreg.gather [hbm4b:s8+s3], $0x80, v4, vm0, $0xb8;
	[tilespmem:$0x8080] =	vst v63  }
0x9a: {  	_ = 	snop  }
0x9b: {  	[tilespmem:s26], [sflag:$0x1] =	stream.indirect_vreg.gather [hbm4b:s1+s3], $0x80, v3, vm0, $0xb8;
	[tilespmem:$0x8080] =	vst v63  }
0x9c: {  	_ = 	snop  }
0x9d: {  	[tilespmem:s28], [sflag:$0x1] =	stream.indirect_vreg.gather [hbm4b:s5+s3], $0x80, v3, vm0, $0xb8;
	[tilespmem:$0x8080] =	vst v63  }
0x9e: {  	_ = 	snop  }
0x9f: {  	[tilespmem:s29], [sflag:$0x1] =	stream.indirect_vreg.gather [hbm4b:s7+s3], $0x80, v3, vm0, $0xb8;
	[tilespmem:$0x8080] =	vst v63  }
0xa0: {  	_ = 	snop  }
0xa1: {  	[tilespmem:s30], [sflag:$0x1] =	stream.indirect_vreg.gather [hbm4b:s8+s3], $0x80, v3, vm0, $0xb8;
	[tilespmem:$0x8080] =	vst v63  }
0xa2: {  	_ =	swait.ge [sflag:s31], $0x8000  }
0xa3: {  	[sflag:s31] =	ssyncset.done $0x0  }
0xa4: {  	[sflag:s31] =	ssyncadd.s32 $0xFFFF8000  }
0xa5: {  	[hbm4b:s10+s3] =	stream.linear.scatter [tilespmem:s14], [sflag:$0x2], $0x8000, $0x38;
	[tilespmem:$0x8080] =	vst v63  }
0xa6: {  	_ =	swait.ge [sflag:s13], $0x8000  }
0xa7: {  	[sflag:s13] =	ssyncset.done $0x0  }
0xa8: {  	[sflag:s13] =	ssyncadd.s32 $0xFFFF8000  }
0xa9: {  	v3 =	vld [tilespmem:$0x60];
	_ =	sdelay $0x4  }
0xaa: {  	v62 =	vshll.u32 v3, $0x3  }
0xab: {  	v3 =	vand.u32 $0x7, v3;
	v4 =	vand.u32 $0xFFFFFFC0, v62  }
0xac: {  	v3 =	vor.u32 v3, v4  }
0xad: {  	v4 =	vperm.xlane v3, v0;
	_ =	sdelay $0x1  }
0xae: {  	v4 =	vadd.s32 v1, v4;
	_ =	sdelay $0x4  }
0xaf: {  	[tilespmem:s14], [sflag:$0x1] =	stream.indirect_vreg.gather [hbm4b:s1+s3], $0x80, v4, vm0, $0xb8;
	[tilespmem:$0x8080] =	vst v63  }
0xb0: {  	v3 =	vperm.xlane v3, v2  }
0xb1: {  	[tilespmem:s15], [sflag:$0x1] =	stream.indirect_vreg.gather [hbm4b:s5+s3], $0x80, v4, vm0, $0xb8;
	[tilespmem:$0x8080] =	vst v63  }
0xb2: {  	v3 =	vadd.s32 v1, v3  }
0xb3: {  	[tilespmem:s16], [sflag:$0x1] =	stream.indirect_vreg.gather [hbm4b:s7+s3], $0x80, v4, vm0, $0xb8;
	[tilespmem:$0x8080] =	vst v63  }
0xb4: {  	_ = 	snop  }
0xb5: {  	[tilespmem:s17], [sflag:$0x1] =	stream.indirect_vreg.gather [hbm4b:s8+s3], $0x80, v4, vm0, $0xb8;
	[tilespmem:$0x8080] =	vst v63  }
0xb6: {  	_ = 	snop  }
0xb7: {  	[tilespmem:s18], [sflag:$0x1] =	stream.indirect_vreg.gather [hbm4b:s1+s3], $0x80, v3, vm0, $0xb8;
	[tilespmem:$0x8080] =	vst v63  }
0xb8: {  	_ = 	snop  }
0xb9: {  	[tilespmem:s19], [sflag:$0x1] =	stream.indirect_vreg.gather [hbm4b:s5+s3], $0x80, v3, vm0, $0xb8;
	[tilespmem:$0x8080] =	vst v63  }
0xba: {  	_ = 	snop  }
0xbb: {  	[tilespmem:s20], [sflag:$0x1] =	stream.indirect_vreg.gather [hbm4b:s7+s3], $0x80, v3, vm0, $0xb8;
	[tilespmem:$0x8080] =	vst v63  }
0xbc: {  	_ = 	snop  }
0xbd: {  	[tilespmem:s21], [sflag:$0x1] =	stream.indirect_vreg.gather [hbm4b:s8+s3], $0x80, v3, vm0, $0xb8;
	[tilespmem:$0x8080] =	vst v63  }
0xbe: {  	v3 =	vld [tilespmem:$0x70];
	_ =	sdelay $0x4  }
0xbf: {  	v63 =	vshll.u32 v3, $0x3  }
0xc0: {  	v3 =	vand.u32 $0x7, v3;
	v4 =	vand.u32 $0xFFFFFFC0, v63  }
0xc1: {  	v3 =	vor.u32 v3, v4  }
0xc2: {  	v4 =	vperm.xlane v3, v0;
	_ =	sdelay $0x1  }
0xc3: {  	v4 =	vadd.s32 v1, v4;
	_ =	sdelay $0x4  }
0xc4: {  	[tilespmem:s22], [sflag:$0x1] =	stream.indirect_vreg.gather [hbm4b:s1+s3], $0x80, v4, vm0, $0xb8;
	[tilespmem:$0x8080] =	vst v63  }
0xc5: {  	v3 =	vperm.xlane v3, v2  }
0xc6: {  	[tilespmem:s23], [sflag:$0x1] =	stream.indirect_vreg.gather [hbm4b:s5+s3], $0x80, v4, vm0, $0xb8;
	[tilespmem:$0x8080] =	vst v63  }
0xc7: {  	v3 =	vadd.s32 v1, v3  }
0xc8: {  	[tilespmem:s24], [sflag:$0x1] =	stream.indirect_vreg.gather [hbm4b:s7+s3], $0x80, v4, vm0, $0xb8;
	[tilespmem:$0x8080] =	vst v63  }
0xc9: {  	_ = 	snop  }
0xca: {  	[tilespmem:s25], [sflag:$0x1] =	stream.indirect_vreg.gather [hbm4b:s8+s3], $0x80, v4, vm0, $0xb8;
	[tilespmem:$0x8080] =	vst v63  }
0xcb: {  	_ = 	snop  }
0xcc: {  	[tilespmem:s26], [sflag:$0x1] =	stream.indirect_vreg.gather [hbm4b:s1+s3], $0x80, v3, vm0, $0xb8;
	[tilespmem:$0x8080] =	vst v63  }
0xcd: {  	_ = 	snop  }
0xce: {  	[tilespmem:s28], [sflag:$0x1] =	stream.indirect_vreg.gather [hbm4b:s5+s3], $0x80, v3, vm0, $0xb8;
	[tilespmem:$0x8080] =	vst v63  }
0xcf: {  	_ = 	snop  }
0xd0: {  	[tilespmem:s29], [sflag:$0x1] =	stream.indirect_vreg.gather [hbm4b:s7+s3], $0x80, v3, vm0, $0xb8;
	[tilespmem:$0x8080] =	vst v63  }
0xd1: {  	_ = 	snop  }
0xd2: {  	[tilespmem:s30], [sflag:$0x1] =	stream.indirect_vreg.gather [hbm4b:s8+s3], $0x80, v3, vm0, $0xb8;
	[tilespmem:$0x8080] =	vst v63  }
0xd3: {  	_ =	swait.ge [sflag:s31], $0x8000  }
0xd4: {  	p0 =	sne.s32 s12, $0x1;
	[sflag:s31] =	ssyncset.done $0x0  }
.Ltmp0:
0xd5: {  	[sflag:s31] =	ssyncadd.s32 $0xFFFF8000;
	(pc) =	sbr.rel @p0 .LBB2_1-.Ltmp0, $4  }
0xd6: {  	[hbm4b:s11+s3] =	stream.linear.scatter [tilespmem:s14], [sflag:$0x2], $0x8000, $0x38;
	[tilespmem:$0x8080] =	vst v63  }
0xd7: {  	_ =	swait.ge [sflag:s13], $0x8000  }
0xd8: {  	[sflag:s13] =	ssyncset.done $0x0  }
0xd9: {  	s12 =	sadd.s32 $0xFFFFFFFF, s12;
	[sflag:s13] =	ssyncadd.s32 $0xFFFF8000  }
0xda: {  	_ =	sfence.sel $0x180000  }
0xdb: {  	[bflag:$0x0] =	sbarrier.arrive $0xFFFF  }
0xdc: {  	p0 =	sne.s32 s2, $0x0;
	_ =	strace $0x90000047  }
0xdd: {  	s0 =	sadd.s32 @!p0 $0x100000, s0;
	[bflag:$0x2] =	sbarrier.arrive $0xFFFF  }
0xde: {  	[sflag:s0] =	ssyncadd.tile.s32 @!p0 $0x1;
	_ =	shalt  }
.Lfunc_end2:
_tile_overlayer_lowered:
.L_overlay_start_2:
0xdf: {  	(tag) =	ssettag $0x2  }
0xe0: {  	s0 =	rddreg [dreg:$0x0];
	s2 =	stileid.u32  }
0xe1: {  	s1 =	rddreg [dreg:$0x1];
	p0 =	sne.s32 s2, $0x0  }
0xe2: {  	s3 =	rddreg [dreg:$0x2];
	[bflag:$0x3] =	sbarrier.arrive $0xFFFF;
	s2 =	simm.s32 @!p0 $0x1C02  }
0xe3: {  	[timem:s3], [sflag:s2] =	dma.local @!p0 [hbm:s0], s1  }
0xe4: {  	s0 =	simm.s32 @!p0 $0x2  }
0xe5: {  	_ =	swait.ge @!p0 [sflag:s0], s1  }
0xe6: {  	s1 =	ssub.s32 @!p0 $0x0, s1;
	[sflag:s0] =	ssyncset.done @!p0 $0x0  }
0xe7: {  	[sflag:s0] =	ssyncadd.s32 @!p0 s1  }
0xe8: {  	[bflag:$0x3] =	sbarrier.arrive $0xFFFF  }
0xe9: {  	_ =	shalt  }

</sc_bundles>
